<compile_context>
chip_gen: v7x
topology: tpu7x:2x2x1
jax: 0.10.2.dev20260603
libtpu: 0.0.44.dev20260713+nightly
codegen_flags: <defaults>
</compile_context>

<pallas_src>
import functools

import jax
import jax.numpy as jnp
from jax import lax
from jax.experimental import pallas as pl
from jax.experimental.pallas import tpu as pltpu
from jax.experimental.pallas import tpu_sc as plsc

Qn = 1024
Kn = 100000
Dn = 16
KT = 2048
KPAD = 100352
NT = KPAD // KT
BLK = 512
NB = KT // BLK
RB = 9
CD = 3 * Dn + 4
PACK = 128 // Dn
NW = 32
BPW = (2 * Qn) // NW


def _scan_kernel(lhs_ref, xt2_ref, i1_ref, i2_ref, b1k, b1i, b2k, b2i):
    k = pl.program_id(0)

    @pl.when(k == 0)
    def _init():
        b1k[...] = jnp.full((1, Qn), 2**31 - 1, jnp.int32)
        b2k[...] = jnp.full((1, Qn), 2**31 - 1, jnp.int32)
        b1i[...] = jnp.zeros((1, Qn), jnp.int32)
        b2i[...] = jnp.zeros((1, Qn), jnp.int32)

    iota = lax.broadcasted_iota(jnp.int32, (BLK, Qn), 0)
    for b in range(NB):
        scores = lax.dot_general(
            lhs_ref[pl.ds(b * BLK, BLK), :], xt2_ref[...],
            (((1,), (0,)), ((), ())),
            preferred_element_type=jnp.float32)

        bits = lax.bitcast_convert_type(scores, jnp.int32)
        key = lax.bitcast_convert_type((bits & -BLK) | iota, jnp.float32)
        kmin = lax.bitcast_convert_type(
            jnp.min(key, axis=0, keepdims=True), jnp.int32)
        grow = (kmin & (BLK - 1)) + (k * KT + b * BLK)
        vkey = kmin & -BLK
        b1k_o, b1i_o = b1k[...], b1i[...]
        b2k_o, b2i_o = b2k[...], b2i[...]
        better1 = vkey < b1k_o
        better2 = vkey < b2k_o
        b1k[...] = jnp.where(better1, vkey, b1k_o)
        b1i[...] = jnp.where(better1, grow, b1i_o)
        b2k[...] = jnp.where(better1, b1k_o, jnp.where(better2, vkey, b2k_o))
        b2i[...] = jnp.where(better1, b1i_o, jnp.where(better2, grow, b2i_o))

    @pl.when(k == NT - 1)
    def _fin():
        i1_ref[...] = b1i[...]
        i2_ref[...] = b2i[...]


_scan = pl.pallas_call(
    _scan_kernel,
    grid=(NT,),
    in_specs=[
        pl.BlockSpec((KT, CD), lambda k: (k, 0)),
        pl.BlockSpec((CD, Qn), lambda k: (0, 0)),
    ],
    out_specs=[
        pl.BlockSpec((1, Qn), lambda k: (0, 0)),
        pl.BlockSpec((1, Qn), lambda k: (0, 0)),
    ],
    out_shape=[
        jax.ShapeDtypeStruct((1, Qn), jnp.int32),
        jax.ShapeDtypeStruct((1, Qn), jnp.int32),
    ],
    scratch_shapes=[
        pltpu.VMEM((1, Qn), jnp.int32),
        pltpu.VMEM((1, Qn), jnp.int32),
        pltpu.VMEM((1, Qn), jnp.int32),
        pltpu.VMEM((1, Qn), jnp.int32),
    ],
)


@functools.cache
def _make_sc_gather():
    @functools.partial(
        pl.kernel,
        mesh=plsc.VectorSubcoreMesh(core_axis_name="c", subcore_axis_name="s"),
        out_type=jax.ShapeDtypeStruct((2 * Qn, 8 * Dn), jnp.float32),
        scratch_types=[
            pltpu.VMEM((BPW,), jnp.int32),
            pltpu.VMEM((BPW, 8 * Dn), jnp.float32),
            pltpu.SemaphoreType.DMA,
        ],
    )
    def _sc_gather(rows_hbm, idx_hbm, out_hbm, idx_v, rows_v, sem):
        wid = lax.axis_index("s") * 2 + lax.axis_index("c")
        base = wid * BPW
        pltpu.sync_copy(idx_hbm.at[pl.ds(base, BPW)], idx_v)
        pltpu.async_copy(rows_hbm.at[idx_v], rows_v, sem).wait()
        pltpu.sync_copy(rows_v, out_hbm.at[pl.ds(base, BPW)])

    return _sc_gather


def _extract(r, sub):
    lane_grp = lax.broadcasted_iota(jnp.int32, (Qn, PACK * Dn), 1) // Dn
    g = jnp.where(lane_grp == sub, r, 0.0)
    acc = g[:, 0:Dn]
    for c in range(1, PACK):
        acc = acc + g[:, c * Dn:(c + 1) * Dn]
    return acc


def _epi_kernel(x_ref, rows_ref, i1_ref, i2_ref, scal_ref, out_ref):
    x = x_ref[...]
    i1 = i1_ref[...]
    i2 = i2_ref[...]
    s1 = _extract(rows_ref[0], i1 % PACK)
    s2 = _extract(rows_ref[1], i2 % PACK)
    rate = scal_ref[0]
    cohesion = scal_ref[1]
    tanfa = scal_ref[2]

    diff1 = x - s1
    diff2 = x - s2
    d1 = jnp.sqrt(jnp.sum(diff1 * diff1, axis=1, keepdims=True))
    d2 = jnp.sqrt(jnp.sum(diff2 * diff2, axis=1, keepdims=True))
    pick1 = (d1 < d2) | ((d1 == d2) & (i1 < i2))
    sw = jnp.where(pick1, s1, s2)

    ricci = rate * (sw - x)
    mag = jnp.sqrt(jnp.sum(ricci * ricci, axis=1, keepdims=True))
    xnorm = jnp.sqrt(jnp.sum(x * x, axis=1, keepdims=True))
    normal = jnp.abs(jnp.sum(x * ricci, axis=1, keepdims=True)) / (xnorm + 1e-8)
    thresh = cohesion + normal * tanfa
    exceeds = mag > thresh
    out_ref[...] = jnp.where(exceeds, ricci * 2.0, ricci * 0.5)


_epi = pl.pallas_call(
    _epi_kernel,
    in_specs=[
        pl.BlockSpec((Qn, Dn), lambda: (0, 0)),
        pl.BlockSpec((2, Qn, PACK * Dn), lambda: (0, 0, 0)),
        pl.BlockSpec((Qn, 1), lambda: (0, 0)),
        pl.BlockSpec((Qn, 1), lambda: (0, 0)),
        pl.BlockSpec(memory_space=pltpu.SMEM),
    ],
    out_specs=pl.BlockSpec((Qn, Dn), lambda: (0, 0)),
    out_shape=jax.ShapeDtypeStruct((Qn, Dn), jnp.float32),
)


def kernel(defect_location, defect_sites, ricci_flow_rate, cohesion, friction_angle):
    x = defect_location.astype(jnp.float32)
    sites = defect_sites.astype(jnp.float32)

    s_hi = sites.astype(jnp.bfloat16)
    s_lo = (sites - s_hi.astype(jnp.float32)).astype(jnp.bfloat16)
    colnorm = jnp.sum(sites * sites, axis=1, keepdims=True)
    nh = colnorm.astype(jnp.bfloat16)
    nl = (colnorm - nh.astype(jnp.float32)).astype(jnp.bfloat16)
    ones_k = jnp.ones((Kn, 1), jnp.bfloat16)
    lhs_real = jnp.concatenate([s_hi, s_hi, s_lo, nh, nl, ones_k, ones_k],
                               axis=1)
    pad_row = jnp.zeros((CD,), jnp.bfloat16).at[3 * Dn].set(1e30)
    lhs_all = jnp.concatenate(
        [lhs_real, jnp.broadcast_to(pad_row, (KPAD - Kn, CD))], axis=0)

    xt2 = x.T + x.T
    xh2 = xt2.astype(jnp.bfloat16)
    xl2 = (xt2 - xh2.astype(jnp.float32)).astype(jnp.bfloat16)
    xn = jnp.sum(x * x, axis=1)[None, :]
    xnh = xn.astype(jnp.bfloat16)
    xnl = (xn - xnh.astype(jnp.float32)).astype(jnp.bfloat16)
    ones = jnp.ones((1, Qn), jnp.bfloat16)
    xcat = jnp.concatenate([-xh2, -xl2, -xh2, ones, ones, xnh, xnl],
                           axis=0)

    i1, i2 = _scan(lhs_all, xcat)
    idx_all = jnp.concatenate([i1.reshape(Qn), i2.reshape(Qn)])

    rows_view = sites.reshape(Kn // PACK, PACK * Dn)
    rows = _make_sc_gather()(rows_view, idx_all // PACK)
    rows2 = rows.reshape(2, Qn, PACK * Dn)

    scal = jnp.stack([
        ricci_flow_rate.astype(jnp.float32),
        cohesion.astype(jnp.float32),
        jnp.tan(friction_angle).astype(jnp.float32),
    ])
    return _epi(x, rows2, i1.reshape(Qn, 1), i2.reshape(Qn, 1), scal)

# --- scband reference (transcript-rebuilt; emitter-appended) ---
"""Pipeline reference for scband-defect-attractor-88304527606102 (READ-ONLY COPY).

The authoritative reference and input builder live on the scoring server;
editing this copy changes nothing except your own understanding.
"""

import jax, jax.numpy as jnp
import numpy as np

Q = 1024
K = 100000
D = 16
CHUNK = 16

def setup_inputs(seed: int = 0) -> dict:
    key = jax.random.key(seed)
    k1, k2 = jax.random.split(key, 2)
    defect_location = jax.random.normal(k1, (Q, D), dtype=jnp.float32)
    defect_sites = jax.random.normal(k2, (K, D), dtype=jnp.float32) * 0.3
    ricci_flow_rate = jnp.asarray(0.1, dtype=jnp.float32)
    cohesion = jnp.asarray(0.5, dtype=jnp.float32)
    friction_angle = jnp.asarray(0.3, dtype=jnp.float32)
    return {
        'defect_location': defect_location,
        'defect_sites': defect_sites,
        'ricci_flow_rate': ricci_flow_rate,
        'cohesion': cohesion,
        'friction_angle': friction_angle,
    }


def _nearest_sites(defect_location, defect_sites):
    # distances = ||x_i - s_j||, argmin over sites; chunked over queries to bound memory
    def chunk_fn(xc):
        diff = xc[:, None, :] - defect_sites[None, :, :]
        dist = jnp.linalg.norm(diff, axis=-1)
        return jnp.argmin(dist, axis=-1)
    xs = defect_location.reshape(Q // CHUNK, CHUNK, D)
    nearest = jax.lax.map(chunk_fn, xs)
    return nearest.reshape(Q)


def reference(defect_location, defect_sites, ricci_flow_rate, cohesion, friction_angle):
    # compute_ricci_flow (vectorized, same math as the per-row torch loop)
    nearest = _nearest_sites(defect_location, defect_sites)
    direction = jnp.take(defect_sites, nearest, axis=0) - defect_location
    ricci_flow = ricci_flow_rate * direction
    # exceeds_mohr_coulomb with stress = ricci_flow
    stress_magnitude = jnp.linalg.norm(ricci_flow, axis=-1)
    normal_stress = jnp.abs(jnp.sum(defect_location * ricci_flow, axis=-1)) / (jnp.linalg.norm(defect_location, axis=-1) + 1e-08)
    yield_threshold = cohesion + normal_stress * jnp.tan(friction_angle)
    exceeds_yield = stress_magnitude > yield_threshold
    # propagate_defect with defect_type='topological' (no chiral branch)
    propagation = jnp.where(exceeds_yield[:, None], ricci_flow * 2.0, ricci_flow * 0.5)
    return propagation

if __name__ == "__main__":
    import jax
    _d = setup_inputs()
    print(jax.jit(kernel)(*tuple(_d.values())))

</pallas_src>

<mosaic_0001>
#map = affine_map<(d0, d1) -> (0, 0)>
#map1 = affine_map<(d0, d1) -> (0)>
module attributes {stable_mosaic.version = 14 : i64} {
  func.func @_sc_gather(%arg0: i32, %arg1: i32, %arg2: memref<12500x128xf32, #tpu.memory_space<hbm>>, %arg3: memref<2048xi32, #tpu.memory_space<hbm>>, %arg4: memref<2048x128xf32, #tpu.memory_space<hbm>>, %arg5: memref<64xi32, #tpu.memory_space<vmem>>, %arg6: memref<64x128xf32, #tpu.memory_space<vmem>>, %arg7: memref<!tpu.dma_semaphore, #tpu.memory_space<semaphore_mem>>) attributes {dimension_semantics = [#tpu.dimension_semantics<core_parallel>, #tpu.dimension_semantics<subcore_parallel>], iteration_bounds = array<i64: 2, 16>, scalar_prefetch = 0 : i64, scratch_operands = 3 : i64, tpu.core_type = #tpu.core_type<sc_vector_subcore>, window_params = [{transform_indices = #map}, {transform_indices = #map1}, {transform_indices = #map}]} {
    %mul3A = arith.constant 2 : i32
    %mul3A_0 = arith.muli %arg1, %mul3A : i32
    %add3A = arith.addi %mul3A_0, %arg0 : i32
    %mul3A_1 = arith.constant 64 : i32
    %mul3A_2 = arith.muli %add3A, %mul3A_1 : i32
    "tpu.region"() ({
      %run_scoped3A = tpu.sem_alloc : memref<!tpu.dma_semaphore, #tpu.memory_space<semaphore_mem>>
      %dma_start3A_7 = tpu.memref_slice %arg3[%mul3A_2] : memref<2048xi32, #tpu.memory_space<hbm>> -> memref<64xi32, #tpu.memory_space<hbm>>
      %dma_start3A_8 = tpu.memref_slice %arg3[%mul3A_2] : memref<2048xi32, #tpu.memory_space<hbm>> -> memref<64xi32, #tpu.memory_space<hbm>>
      tpu.enqueue_dma source(%dma_start3A_8 : memref<64xi32, #tpu.memory_space<hbm>>) target(%arg5 : memref<64xi32, #tpu.memory_space<vmem>>) target_semaphore(%run_scoped3A : memref<!tpu.dma_semaphore, #tpu.memory_space<semaphore_mem>>)
      %dma_wait3A_9 = tpu.memref_slice %arg3[%mul3A_2] : memref<2048xi32, #tpu.memory_space<hbm>> -> memref<64xi32, #tpu.memory_space<hbm>>
      %dma_wait3A_10 = tpu.memref_slice %arg3[%mul3A_2] : memref<2048xi32, #tpu.memory_space<hbm>> -> memref<64xi32, #tpu.memory_space<hbm>>
      tpu.wait_dma2 semaphore(%run_scoped3A : memref<!tpu.dma_semaphore, #tpu.memory_space<semaphore_mem>>) src(%dma_wait3A_10 : memref<64xi32, #tpu.memory_space<hbm>>) dst(%arg5 : memref<64xi32, #tpu.memory_space<vmem>>)
      tpu.yield
    }) : () -> ()
    %dma_start3A = arith.constant 0 : i32
    %dma_start3A_3 = arith.constant 0 : i32
    %dma_start3A_4 = tpu.memref_slice %arg2[%dma_start3A, %dma_start3A_3] : memref<12500x128xf32, #tpu.memory_space<hbm>> -> memref<12500x128xf32, #tpu.memory_space<hbm>>
    tpu.enqueue_indirect_dma source(%dma_start3A_4 : memref<12500x128xf32, #tpu.memory_space<hbm>>) target(%arg6 : memref<64x128xf32, #tpu.memory_space<vmem>>) offsets(%arg5 : memref<64xi32, #tpu.memory_space<vmem>>) semaphore(%arg7 : memref<!tpu.dma_semaphore, #tpu.memory_space<semaphore_mem>>)
    %dma_wait3A = arith.constant 0 : i32
    %dma_wait3A_5 = arith.constant 0 : i32
    %dma_wait3A_6 = tpu.memref_slice %arg2[%dma_wait3A, %dma_wait3A_5] : memref<12500x128xf32, #tpu.memory_space<hbm>> -> memref<12500x128xf32, #tpu.memory_space<hbm>>
    tpu.wait_indirect_dma semaphore(%arg7 : memref<!tpu.dma_semaphore, #tpu.memory_space<semaphore_mem>>) src(%dma_wait3A_6 : memref<12500x128xf32, #tpu.memory_space<hbm>>) dst(%arg6 : memref<64x128xf32, #tpu.memory_space<vmem>>)
    "tpu.region"() ({
      %run_scoped3A = tpu.sem_alloc : memref<!tpu.dma_semaphore, #tpu.memory_space<semaphore_mem>>
      %dma_start3A_7 = arith.constant 0 : i32
      %dma_start3A_8 = tpu.memref_slice %arg4[%mul3A_2, %dma_start3A_7] : memref<2048x128xf32, #tpu.memory_space<hbm>> -> memref<64x128xf32, #tpu.memory_space<hbm>>
      %dma_start3A_9 = arith.constant 0 : i32
      %dma_start3A_10 = tpu.memref_slice %arg4[%mul3A_2, %dma_start3A_9] : memref<2048x128xf32, #tpu.memory_space<hbm>> -> memref<64x128xf32, #tpu.memory_space<hbm>>
      tpu.enqueue_dma source(%arg6 : memref<64x128xf32, #tpu.memory_space<vmem>>) target(%dma_start3A_10 : memref<64x128xf32, #tpu.memory_space<hbm>>) target_semaphore(%run_scoped3A : memref<!tpu.dma_semaphore, #tpu.memory_space<semaphore_mem>>)
      %dma_wait3A_11 = arith.constant 0 : i32
      %dma_wait3A_12 = tpu.memref_slice %arg4[%mul3A_2, %dma_wait3A_11] : memref<2048x128xf32, #tpu.memory_space<hbm>> -> memref<64x128xf32, #tpu.memory_space<hbm>>
      %dma_wait3A_13 = arith.constant 0 : i32
      %dma_wait3A_14 = tpu.memref_slice %arg4[%mul3A_2, %dma_wait3A_13] : memref<2048x128xf32, #tpu.memory_space<hbm>> -> memref<64x128xf32, #tpu.memory_space<hbm>>
      tpu.wait_dma2 semaphore(%run_scoped3A : memref<!tpu.dma_semaphore, #tpu.memory_space<semaphore_mem>>) src(%arg6 : memref<64x128xf32, #tpu.memory_space<vmem>>) dst(%dma_wait3A_14 : memref<64x128xf32, #tpu.memory_space<hbm>>)
      tpu.yield
    }) : () -> ()
    return
  }
}

module attributes {stable_mosaic.version = 14 : i64} {
  func.func @_scan_kernel(%arg0: i32, %arg1: memref<2048x52xbf16, #tpu.memory_space<vmem>>, %arg2: memref<52x1024xbf16, #tpu.memory_space<vmem>>, %arg3: memref<1x1024xi32, #tpu.memory_space<vmem>>, %arg4: memref<1x1024xi32, #tpu.memory_space<vmem>>, %arg5: memref<1x1024xi32, #tpu.memory_space<vmem>>, %arg6: memref<1x1024xi32, #tpu.memory_space<vmem>>, %arg7: memref<1x1024xi32, #tpu.memory_space<vmem>>, %arg8: memref<1x1024xi32, #tpu.memory_space<vmem>>) attributes {dimension_semantics = [#tpu.dimension_semantics<arbitrary>], iteration_bounds = array<i64: 49>, scalar_prefetch = 0 : i64, scratch_operands = 4 : i64, tpu.core_type = #tpu.core_type<tc>, window_params = [{transform_indices = @transform_0, window_bounds = array<i64: 2048, 52>}, {pipeline_mode = #tpu.pipeline_mode<synchronous>, transform_indices = @transform_1, window_bounds = array<i64: 52, 1024>}, {pipeline_mode = #tpu.pipeline_mode<synchronous>, transform_indices = @transform_2, window_bounds = array<i64: 1, 1024>}, {pipeline_mode = #tpu.pipeline_mode<synchronous>, transform_indices = @transform_3, window_bounds = array<i64: 1, 1024>}]} {
    %eq3A = arith.constant 0 : i32
    %eq3A_0 = arith.cmpi eq, %arg0, %eq3A : i32
    %convert_element_type3A = arith.extui %eq3A_0 : i1 to i32
    %cond3A = arith.constant 0 : i32
    %cond3A_1 = arith.cmpi ne, %convert_element_type3A, %cond3A : i32
    scf.if %cond3A_1 {
      %broadcast_in_dim3A_243 = arith.constant 2147483647 : i32
      %broadcast_in_dim3A_244 = vector.broadcast %broadcast_in_dim3A_243 : i32 to vector<1x1024xi32>
      %swap3A_245 = arith.constant 0 : index
      %swap3A_246 = arith.constant 0 : index
      %swap3A_247 = vector.load %arg5[%swap3A_245, %swap3A_246] : memref<1x1024xi32, #tpu.memory_space<vmem>>, vector<1x1024xi32>
      tpu.vector_store %arg5[%swap3A_245, %swap3A_246], %broadcast_in_dim3A_244 {strides = array<i32>} : memref<1x1024xi32, #tpu.memory_space<vmem>>, vector<1x1024xi32>,
      %broadcast_in_dim3A_248 = arith.constant 2147483647 : i32
      %broadcast_in_dim3A_249 = vector.broadcast %broadcast_in_dim3A_248 : i32 to vector<1x1024xi32>
      %swap3A_250 = arith.constant 0 : index
      %swap3A_251 = arith.constant 0 : index
      %swap3A_252 = vector.load %arg7[%swap3A_250, %swap3A_251] : memref<1x1024xi32, #tpu.memory_space<vmem>>, vector<1x1024xi32>
      tpu.vector_store %arg7[%swap3A_250, %swap3A_251], %broadcast_in_dim3A_249 {strides = array<i32>} : memref<1x1024xi32, #tpu.memory_space<vmem>>, vector<1x1024xi32>,
      %broadcast_in_dim3A_253 = arith.constant 0 : i32
      %broadcast_in_dim3A_254 = vector.broadcast %broadcast_in_dim3A_253 : i32 to vector<1x1024xi32>
      %swap3A_255 = arith.constant 0 : index
      %swap3A_256 = arith.constant 0 : index
      %swap3A_257 = vector.load %arg6[%swap3A_255, %swap3A_256] : memref<1x1024xi32, #tpu.memory_space<vmem>>, vector<1x1024xi32>
      tpu.vector_store %arg6[%swap3A_255, %swap3A_256], %broadcast_in_dim3A_254 {strides = array<i32>} : memref<1x1024xi32, #tpu.memory_space<vmem>>, vector<1x1024xi32>,
      %broadcast_in_dim3A_258 = arith.constant 0 : i32
      %broadcast_in_dim3A_259 = vector.broadcast %broadcast_in_dim3A_258 : i32 to vector<1x1024xi32>
      %swap3A_260 = arith.constant 0 : index
      %swap3A_261 = arith.constant 0 : index
      %swap3A_262 = vector.load %arg8[%swap3A_260, %swap3A_261] : memref<1x1024xi32, #tpu.memory_space<vmem>>, vector<1x1024xi32>
      tpu.vector_store %arg8[%swap3A_260, %swap3A_261], %broadcast_in_dim3A_259 {strides = array<i32>} : memref<1x1024xi32, #tpu.memory_space<vmem>>, vector<1x1024xi32>,
    } else {
    }
    %iota3A = tpu.iota {dimensions = array<i32: 0>} : vector<512x1024xi32>
    %get3A = arith.constant 0 : index
    %get3A_2 = arith.constant 0 : index
    %get3A_3 = vector.load %arg1[%get3A, %get3A_2] : memref<2048x52xbf16, #tpu.memory_space<vmem>>, vector<512x52xbf16>
    %get3A_4 = arith.constant 0 : index
    %get3A_5 = arith.constant 0 : index
    %get3A_6 = vector.load %arg2[%get3A_4, %get3A_5] : memref<52x1024xbf16, #tpu.memory_space<vmem>>, vector<52x1024xbf16>
    %dot_general3A = arith.constant dense<0.000000e+00> : vector<512x1024xf32>
    %dot_general3A_7 = tpu.matmul %get3A_3, %get3A_6, %dot_general3A {dimension_numbers = #tpu.dot_dimension_numbers<[1], [0], [0], [1], [0, 0, 1, 1], [], []>, transpose_lhs_hint = false} : vector<512x52xbf16>, vector<52x1024xbf16>, vector<512x1024xf32> -> vector<512x1024xf32>
    %bitcast_convert_type3A = tpu.bitcast %dot_general3A_7 : vector<512x1024xf32> -> vector<512x1024xi32>
    %and3A = arith.constant -512 : i32
    %and3A_8 = vector.broadcast %and3A : i32 to vector<512x1024xi32>
    %and3A_9 = arith.andi %bitcast_convert_type3A, %and3A_8 : vector<512x1024xi32>
    %or3A = arith.ori %and3A_9, %iota3A : vector<512x1024xi32>
    %bitcast_convert_type3A_10 = tpu.bitcast %or3A : vector<512x1024xi32> -> vector<512x1024xf32>
    %reduce_min3A = arith.constant dense<0x7F800000> : vector<1024xf32>
    %reduce_min3A_11 = vector.multi_reduction <minimumf>, %bitcast_convert_type3A_10, %reduce_min3A [0] : vector<512x1024xf32> to vector<1024xf32>
    %broadcast_in_dim3A = vector.shape_cast %reduce_min3A_11 : vector<1024xf32> to vector<1x1024xf32>
    %bitcast_convert_type3A_12 = tpu.bitcast %broadcast_in_dim3A : vector<1x1024xf32> -> vector<1x1024xi32>
    %and3A_13 = arith.constant 511 : i32
    %and3A_14 = vector.broadcast %and3A_13 : i32 to vector<1x1024xi32>
    %and3A_15 = arith.andi %bitcast_convert_type3A_12, %and3A_14 : vector<1x1024xi32>
    %mul3A = arith.constant 2048 : i32
    %mul3A_16 = arith.muli %arg0, %mul3A : i32
    %add3A = arith.constant 0 : i32
    %add3A_17 = arith.addi %mul3A_16, %add3A : i32
    %add3A_18 = vector.broadcast %add3A_17 : i32 to vector<1x1024xi32>
    %add3A_19 = arith.addi %and3A_15, %add3A_18 : vector<1x1024xi32>
    %and3A_20 = arith.constant -512 : i32
    %and3A_21 = vector.broadcast %and3A_20 : i32 to vector<1x1024xi32>
    %and3A_22 = arith.andi %bitcast_convert_type3A_12, %and3A_21 : vector<1x1024xi32>
    %get3A_23 = arith.constant 0 : index
    %get3A_24 = arith.constant 0 : index
    %get3A_25 = vector.load %arg5[%get3A_23, %get3A_24] : memref<1x1024xi32, #tpu.memory_space<vmem>>, vector<1x1024xi32>
    %get3A_26 = arith.constant 0 : index
    %get3A_27 = arith.constant 0 : index
    %get3A_28 = vector.load %arg6[%get3A_26, %get3A_27] : memref<1x1024xi32, #tpu.memory_space<vmem>>, vector<1x1024xi32>
    %get3A_29 = arith.constant 0 : index
    %get3A_30 = arith.constant 0 : index
    %get3A_31 = vector.load %arg7[%get3A_29, %get3A_30] : memref<1x1024xi32, #tpu.memory_space<vmem>>, vector<1x1024xi32>
    %get3A_32 = arith.constant 0 : index
    %get3A_33 = arith.constant 0 : index
    %get3A_34 = vector.load %arg8[%get3A_32, %get3A_33] : memref<1x1024xi32, #tpu.memory_space<vmem>>, vector<1x1024xi32>
    %lt3A = arith.cmpi slt, %and3A_22, %get3A_25 : vector<1x1024xi32>
    %lt3A_35 = arith.cmpi slt, %and3A_22, %get3A_31 : vector<1x1024xi32>
    %select_n3A = arith.select %lt3A, %and3A_22, %get3A_25 : vector<1x1024xi1>, vector<1x1024xi32>
    %swap3A = arith.constant 0 : index
    %swap3A_36 = arith.constant 0 : index
    %swap3A_37 = vector.load %arg5[%swap3A, %swap3A_36] : memref<1x1024xi32, #tpu.memory_space<vmem>>, vector<1x1024xi32>
    tpu.vector_store %arg5[%swap3A, %swap3A_36], %select_n3A {strides = array<i32>} : memref<1x1024xi32, #tpu.memory_space<vmem>>, vector<1x1024xi32>,
    %select_n3A_38 = arith.select %lt3A, %add3A_19, %get3A_28 : vector<1x1024xi1>, vector<1x1024xi32>
    %swap3A_39 = arith.constant 0 : index
    %swap3A_40 = arith.constant 0 : index
    %swap3A_41 = vector.load %arg6[%swap3A_39, %swap3A_40] : memref<1x1024xi32, #tpu.memory_space<vmem>>, vector<1x1024xi32>
    tpu.vector_store %arg6[%swap3A_39, %swap3A_40], %select_n3A_38 {strides = array<i32>} : memref<1x1024xi32, #tpu.memory_space<vmem>>, vector<1x1024xi32>,
    %select_n3A_42 = arith.select %lt3A_35, %and3A_22, %get3A_31 : vector<1x1024xi1>, vector<1x1024xi32>
    %select_n3A_43 = arith.select %lt3A, %get3A_25, %select_n3A_42 : vector<1x1024xi1>, vector<1x1024xi32>
    %swap3A_44 = arith.constant 0 : index
    %swap3A_45 = arith.constant 0 : index
    %swap3A_46 = vector.load %arg7[%swap3A_44, %swap3A_45] : memref<1x1024xi32, #tpu.memory_space<vmem>>, vector<1x1024xi32>
    tpu.vector_store %arg7[%swap3A_44, %swap3A_45], %select_n3A_43 {strides = array<i32>} : memref<1x1024xi32, #tpu.memory_space<vmem>>, vector<1x1024xi32>,
    %select_n3A_47 = arith.select %lt3A_35, %add3A_19, %get3A_34 : vector<1x1024xi1>, vector<1x1024xi32>
    %select_n3A_48 = arith.select %lt3A, %get3A_28, %select_n3A_47 : vector<1x1024xi1>, vector<1x1024xi32>
    %swap3A_49 = arith.constant 0 : index
    %swap3A_50 = arith.constant 0 : index
    %swap3A_51 = vector.load %arg8[%swap3A_49, %swap3A_50] : memref<1x1024xi32, #tpu.memory_space<vmem>>, vector<1x1024xi32>
    tpu.vector_store %arg8[%swap3A_49, %swap3A_50], %select_n3A_48 {strides = array<i32>} : memref<1x1024xi32, #tpu.memory_space<vmem>>, vector<1x1024xi32>,
    %get3A_52 = arith.constant 512 : index
    %get3A_53 = arith.constant 0 : index
    %get3A_54 = vector.load %arg1[%get3A_52, %get3A_53] : memref<2048x52xbf16, #tpu.memory_space<vmem>>, vector<512x52xbf16>
    %get3A_55 = arith.constant 0 : index
    %get3A_56 = arith.constant 0 : index
    %get3A_57 = vector.load %arg2[%get3A_55, %get3A_56] : memref<52x1024xbf16, #tpu.memory_space<vmem>>, vector<52x1024xbf16>
    %dot_general3A_58 = arith.constant dense<0.000000e+00> : vector<512x1024xf32>
    %dot_general3A_59 = tpu.matmul %get3A_54, %get3A_57, %dot_general3A_58 {dimension_numbers = #tpu.dot_dimension_numbers<[1], [0], [0], [1], [0, 0, 1, 1], [], []>, transpose_lhs_hint = false} : vector<512x52xbf16>, vector<52x1024xbf16>, vector<512x1024xf32> -> vector<512x1024xf32>
    %bitcast_convert_type3A_60 = tpu.bitcast %dot_general3A_59 : vector<512x1024xf32> -> vector<512x1024xi32>
    %and3A_61 = arith.constant -512 : i32
    %and3A_62 = vector.broadcast %and3A_61 : i32 to vector<512x1024xi32>
    %and3A_63 = arith.andi %bitcast_convert_type3A_60, %and3A_62 : vector<512x1024xi32>
    %or3A_64 = arith.ori %and3A_63, %iota3A : vector<512x1024xi32>
    %bitcast_convert_type3A_65 = tpu.bitcast %or3A_64 : vector<512x1024xi32> -> vector<512x1024xf32>
    %reduce_min3A_66 = arith.constant dense<0x7F800000> : vector<1024xf32>
    %reduce_min3A_67 = vector.multi_reduction <minimumf>, %bitcast_convert_type3A_65, %reduce_min3A_66 [0] : vector<512x1024xf32> to vector<1024xf32>
    %broadcast_in_dim3A_68 = vector.shape_cast %reduce_min3A_67 : vector<1024xf32> to vector<1x1024xf32>
    %bitcast_convert_type3A_69 = tpu.bitcast %broadcast_in_dim3A_68 : vector<1x1024xf32> -> vector<1x1024xi32>
    %and3A_70 = arith.constant 511 : i32
    %and3A_71 = vector.broadcast %and3A_70 : i32 to vector<1x1024xi32>
    %and3A_72 = arith.andi %bitcast_convert_type3A_69, %and3A_71 : vector<1x1024xi32>
    %mul3A_73 = arith.constant 2048 : i32
    %mul3A_74 = arith.muli %arg0, %mul3A_73 : i32
    %add3A_75 = arith.constant 512 : i32
    %add3A_76 = arith.addi %mul3A_74, %add3A_75 : i32
    %add3A_77 = vector.broadcast %add3A_76 : i32 to vector<1x1024xi32>
    %add3A_78 = arith.addi %and3A_72, %add3A_77 : vector<1x1024xi32>
    %and3A_79 = arith.constant -512 : i32
    %and3A_80 = vector.broadcast %and3A_79 : i32 to vector<1x1024xi32>
    %and3A_81 = arith.andi %bitcast_convert_type3A_69, %and3A_80 : vector<1x1024xi32>
    %get3A_82 = arith.constant 0 : index
    %get3A_83 = arith.constant 0 : index
    %get3A_84 = vector.load %arg5[%get3A_82, %get3A_83] : memref<1x1024xi32, #tpu.memory_space<vmem>>, vector<1x1024xi32>
    %get3A_85 = arith.constant 0 : index
    %get3A_86 = arith.constant 0 : index
    %get3A_87 = vector.load %arg6[%get3A_85, %get3A_86] : memref<1x1024xi32, #tpu.memory_space<vmem>>, vector<1x1024xi32>
    %get3A_88 = arith.constant 0 : index
    %get3A_89 = arith.constant 0 : index
    %get3A_90 = vector.load %arg7[%get3A_88, %get3A_89] : memref<1x1024xi32, #tpu.memory_space<vmem>>, vector<1x1024xi32>
    %get3A_91 = arith.constant 0 : index
    %get3A_92 = arith.constant 0 : index
    %get3A_93 = vector.load %arg8[%get3A_91, %get3A_92] : memref<1x1024xi32, #tpu.memory_space<vmem>>, vector<1x1024xi32>
    %lt3A_94 = arith.cmpi slt, %and3A_81, %get3A_84 : vector<1x1024xi32>
    %lt3A_95 = arith.cmpi slt, %and3A_81, %get3A_90 : vector<1x1024xi32>
    %select_n3A_96 = arith.select %lt3A_94, %and3A_81, %get3A_84 : vector<1x1024xi1>, vector<1x1024xi32>
    %swap3A_97 = arith.constant 0 : index
    %swap3A_98 = arith.constant 0 : index
    %swap3A_99 = vector.load %arg5[%swap3A_97, %swap3A_98] : memref<1x1024xi32, #tpu.memory_space<vmem>>, vector<1x1024xi32>
    tpu.vector_store %arg5[%swap3A_97, %swap3A_98], %select_n3A_96 {strides = array<i32>} : memref<1x1024xi32, #tpu.memory_space<vmem>>, vector<1x1024xi32>,
    %select_n3A_100 = arith.select %lt3A_94, %add3A_78, %get3A_87 : vector<1x1024xi1>, vector<1x1024xi32>
    %swap3A_101 = arith.constant 0 : index
    %swap3A_102 = arith.constant 0 : index
    %swap3A_103 = vector.load %arg6[%swap3A_101, %swap3A_102] : memref<1x1024xi32, #tpu.memory_space<vmem>>, vector<1x1024xi32>
    tpu.vector_store %arg6[%swap3A_101, %swap3A_102], %select_n3A_100 {strides = array<i32>} : memref<1x1024xi32, #tpu.memory_space<vmem>>, vector<1x1024xi32>,
    %select_n3A_104 = arith.select %lt3A_95, %and3A_81, %get3A_90 : vector<1x1024xi1>, vector<1x1024xi32>
    %select_n3A_105 = arith.select %lt3A_94, %get3A_84, %select_n3A_104 : vector<1x1024xi1>, vector<1x1024xi32>
    %swap3A_106 = arith.constant 0 : index
    %swap3A_107 = arith.constant 0 : index
    %swap3A_108 = vector.load %arg7[%swap3A_106, %swap3A_107] : memref<1x1024xi32, #tpu.memory_space<vmem>>, vector<1x1024xi32>
    tpu.vector_store %arg7[%swap3A_106, %swap3A_107], %select_n3A_105 {strides = array<i32>} : memref<1x1024xi32, #tpu.memory_space<vmem>>, vector<1x1024xi32>,
    %select_n3A_109 = arith.select %lt3A_95, %add3A_78, %get3A_93 : vector<1x1024xi1>, vector<1x1024xi32>
    %select_n3A_110 = arith.select %lt3A_94, %get3A_87, %select_n3A_109 : vector<1x1024xi1>, vector<1x1024xi32>
    %swap3A_111 = arith.constant 0 : index
    %swap3A_112 = arith.constant 0 : index
    %swap3A_113 = vector.load %arg8[%swap3A_111, %swap3A_112] : memref<1x1024xi32, #tpu.memory_space<vmem>>, vector<1x1024xi32>
    tpu.vector_store %arg8[%swap3A_111, %swap3A_112], %select_n3A_110 {strides = array<i32>} : memref<1x1024xi32, #tpu.memory_space<vmem>>, vector<1x1024xi32>,
    %get3A_114 = arith.constant 1024 : index
    %get3A_115 = arith.constant 0 : index
    %get3A_116 = vector.load %arg1[%get3A_114, %get3A_115] : memref<2048x52xbf16, #tpu.memory_space<vmem>>, vector<512x52xbf16>
    %get3A_117 = arith.constant 0 : index
    %get3A_118 = arith.constant 0 : index
    %get3A_119 = vector.load %arg2[%get3A_117, %get3A_118] : memref<52x1024xbf16, #tpu.memory_space<vmem>>, vector<52x1024xbf16>
    %dot_general3A_120 = arith.constant dense<0.000000e+00> : vector<512x1024xf32>
    %dot_general3A_121 = tpu.matmul %get3A_116, %get3A_119, %dot_general3A_120 {dimension_numbers = #tpu.dot_dimension_numbers<[1], [0], [0], [1], [0, 0, 1, 1], [], []>, transpose_lhs_hint = false} : vector<512x52xbf16>, vector<52x1024xbf16>, vector<512x1024xf32> -> vector<512x1024xf32>
    %bitcast_convert_type3A_122 = tpu.bitcast %dot_general3A_121 : vector<512x1024xf32> -> vector<512x1024xi32>
    %and3A_123 = arith.constant -512 : i32
    %and3A_124 = vector.broadcast %and3A_123 : i32 to vector<512x1024xi32>
    %and3A_125 = arith.andi %bitcast_convert_type3A_122, %and3A_124 : vector<512x1024xi32>
    %or3A_126 = arith.ori %and3A_125, %iota3A : vector<512x1024xi32>
    %bitcast_convert_type3A_127 = tpu.bitcast %or3A_126 : vector<512x1024xi32> -> vector<512x1024xf32>
    %reduce_min3A_128 = arith.constant dense<0x7F800000> : vector<1024xf32>
    %reduce_min3A_129 = vector.multi_reduction <minimumf>, %bitcast_convert_type3A_127, %reduce_min3A_128 [0] : vector<512x1024xf32> to vector<1024xf32>
    %broadcast_in_dim3A_130 = vector.shape_cast %reduce_min3A_129 : vector<1024xf32> to vector<1x1024xf32>
    %bitcast_convert_type3A_131 = tpu.bitcast %broadcast_in_dim3A_130 : vector<1x1024xf32> -> vector<1x1024xi32>
    %and3A_132 = arith.constant 511 : i32
    %and3A_133 = vector.broadcast %and3A_132 : i32 to vector<1x1024xi32>
    %and3A_134 = arith.andi %bitcast_convert_type3A_131, %and3A_133 : vector<1x1024xi32>
    %mul3A_135 = arith.constant 2048 : i32
    %mul3A_136 = arith.muli %arg0, %mul3A_135 : i32
    %add3A_137 = arith.constant 1024 : i32
    %add3A_138 = arith.addi %mul3A_136, %add3A_137 : i32
    %add3A_139 = vector.broadcast %add3A_138 : i32 to vector<1x1024xi32>
    %add3A_140 = arith.addi %and3A_134, %add3A_139 : vector<1x1024xi32>
    %and3A_141 = arith.constant -512 : i32
    %and3A_142 = vector.broadcast %and3A_141 : i32 to vector<1x1024xi32>
    %and3A_143 = arith.andi %bitcast_convert_type3A_131, %and3A_142 : vector<1x1024xi32>
    %get3A_144 = arith.constant 0 : index
    %get3A_145 = arith.constant 0 : index
    %get3A_146 = vector.load %arg5[%get3A_144, %get3A_145] : memref<1x1024xi32, #tpu.memory_space<vmem>>, vector<1x1024xi32>
    %get3A_147 = arith.constant 0 : index
    %get3A_148 = arith.constant 0 : index
    %get3A_149 = vector.load %arg6[%get3A_147, %get3A_148] : memref<1x1024xi32, #tpu.memory_space<vmem>>, vector<1x1024xi32>
    %get3A_150 = arith.constant 0 : index
    %get3A_151 = arith.constant 0 : index
    %get3A_152 = vector.load %arg7[%get3A_150, %get3A_151] : memref<1x1024xi32, #tpu.memory_space<vmem>>, vector<1x1024xi32>
    %get3A_153 = arith.constant 0 : index
    %get3A_154 = arith.constant 0 : index
    %get3A_155 = vector.load %arg8[%get3A_153, %get3A_154] : memref<1x1024xi32, #tpu.memory_space<vmem>>, vector<1x1024xi32>
    %lt3A_156 = arith.cmpi slt, %and3A_143, %get3A_146 : vector<1x1024xi32>
    %lt3A_157 = arith.cmpi slt, %and3A_143, %get3A_152 : vector<1x1024xi32>
    %select_n3A_158 = arith.select %lt3A_156, %and3A_143, %get3A_146 : vector<1x1024xi1>, vector<1x1024xi32>
    %swap3A_159 = arith.constant 0 : index
    %swap3A_160 = arith.constant 0 : index
    %swap3A_161 = vector.load %arg5[%swap3A_159, %swap3A_160] : memref<1x1024xi32, #tpu.memory_space<vmem>>, vector<1x1024xi32>
    tpu.vector_store %arg5[%swap3A_159, %swap3A_160], %select_n3A_158 {strides = array<i32>} : memref<1x1024xi32, #tpu.memory_space<vmem>>, vector<1x1024xi32>,
    %select_n3A_162 = arith.select %lt3A_156, %add3A_140, %get3A_149 : vector<1x1024xi1>, vector<1x1024xi32>
    %swap3A_163 = arith.constant 0 : index
    %swap3A_164 = arith.constant 0 : index
    %swap3A_165 = vector.load %arg6[%swap3A_163, %swap3A_164] : memref<1x1024xi32, #tpu.memory_space<vmem>>, vector<1x1024xi32>
    tpu.vector_store %arg6[%swap3A_163, %swap3A_164], %select_n3A_162 {strides = array<i32>} : memref<1x1024xi32, #tpu.memory_space<vmem>>, vector<1x1024xi32>,
    %select_n3A_166 = arith.select %lt3A_157, %and3A_143, %get3A_152 : vector<1x1024xi1>, vector<1x1024xi32>
    %select_n3A_167 = arith.select %lt3A_156, %get3A_146, %select_n3A_166 : vector<1x1024xi1>, vector<1x1024xi32>
    %swap3A_168 = arith.constant 0 : index
    %swap3A_169 = arith.constant 0 : index
    %swap3A_170 = vector.load %arg7[%swap3A_168, %swap3A_169] : memref<1x1024xi32, #tpu.memory_space<vmem>>, vector<1x1024xi32>
    tpu.vector_store %arg7[%swap3A_168, %swap3A_169], %select_n3A_167 {strides = array<i32>} : memref<1x1024xi32, #tpu.memory_space<vmem>>, vector<1x1024xi32>,
    %select_n3A_171 = arith.select %lt3A_157, %add3A_140, %get3A_155 : vector<1x1024xi1>, vector<1x1024xi32>
    %select_n3A_172 = arith.select %lt3A_156, %get3A_149, %select_n3A_171 : vector<1x1024xi1>, vector<1x1024xi32>
    %swap3A_173 = arith.constant 0 : index
    %swap3A_174 = arith.constant 0 : index
    %swap3A_175 = vector.load %arg8[%swap3A_173, %swap3A_174] : memref<1x1024xi32, #tpu.memory_space<vmem>>, vector<1x1024xi32>
    tpu.vector_store %arg8[%swap3A_173, %swap3A_174], %select_n3A_172 {strides = array<i32>} : memref<1x1024xi32, #tpu.memory_space<vmem>>, vector<1x1024xi32>,
    %get3A_176 = arith.constant 1536 : index
    %get3A_177 = arith.constant 0 : index
    %get3A_178 = vector.load %arg1[%get3A_176, %get3A_177] : memref<2048x52xbf16, #tpu.memory_space<vmem>>, vector<512x52xbf16>
    %get3A_179 = arith.constant 0 : index
    %get3A_180 = arith.constant 0 : index
    %get3A_181 = vector.load %arg2[%get3A_179, %get3A_180] : memref<52x1024xbf16, #tpu.memory_space<vmem>>, vector<52x1024xbf16>
    %dot_general3A_182 = arith.constant dense<0.000000e+00> : vector<512x1024xf32>
    %dot_general3A_183 = tpu.matmul %get3A_178, %get3A_181, %dot_general3A_182 {dimension_numbers = #tpu.dot_dimension_numbers<[1], [0], [0], [1], [0, 0, 1, 1], [], []>, transpose_lhs_hint = false} : vector<512x52xbf16>, vector<52x1024xbf16>, vector<512x1024xf32> -> vector<512x1024xf32>
    %bitcast_convert_type3A_184 = tpu.bitcast %dot_general3A_183 : vector<512x1024xf32> -> vector<512x1024xi32>
    %and3A_185 = arith.constant -512 : i32
    %and3A_186 = vector.broadcast %and3A_185 : i32 to vector<512x1024xi32>
    %and3A_187 = arith.andi %bitcast_convert_type3A_184, %and3A_186 : vector<512x1024xi32>
    %or3A_188 = arith.ori %and3A_187, %iota3A : vector<512x1024xi32>
    %bitcast_convert_type3A_189 = tpu.bitcast %or3A_188 : vector<512x1024xi32> -> vector<512x1024xf32>
    %reduce_min3A_190 = arith.constant dense<0x7F800000> : vector<1024xf32>
    %reduce_min3A_191 = vector.multi_reduction <minimumf>, %bitcast_convert_type3A_189, %reduce_min3A_190 [0] : vector<512x1024xf32> to vector<1024xf32>
    %broadcast_in_dim3A_192 = vector.shape_cast %reduce_min3A_191 : vector<1024xf32> to vector<1x1024xf32>
    %bitcast_convert_type3A_193 = tpu.bitcast %broadcast_in_dim3A_192 : vector<1x1024xf32> -> vector<1x1024xi32>
    %and3A_194 = arith.constant 511 : i32
    %and3A_195 = vector.broadcast %and3A_194 : i32 to vector<1x1024xi32>
    %and3A_196 = arith.andi %bitcast_convert_type3A_193, %and3A_195 : vector<1x1024xi32>
    %mul3A_197 = arith.constant 2048 : i32
    %mul3A_198 = arith.muli %arg0, %mul3A_197 : i32
    %add3A_199 = arith.constant 1536 : i32
    %add3A_200 = arith.addi %mul3A_198, %add3A_199 : i32
    %add3A_201 = vector.broadcast %add3A_200 : i32 to vector<1x1024xi32>
    %add3A_202 = arith.addi %and3A_196, %add3A_201 : vector<1x1024xi32>
    %and3A_203 = arith.constant -512 : i32
    %and3A_204 = vector.broadcast %and3A_203 : i32 to vector<1x1024xi32>
    %and3A_205 = arith.andi %bitcast_convert_type3A_193, %and3A_204 : vector<1x1024xi32>
    %get3A_206 = arith.constant 0 : index
    %get3A_207 = arith.constant 0 : index
    %get3A_208 = vector.load %arg5[%get3A_206, %get3A_207] : memref<1x1024xi32, #tpu.memory_space<vmem>>, vector<1x1024xi32>
    %get3A_209 = arith.constant 0 : index
    %get3A_210 = arith.constant 0 : index
    %get3A_211 = vector.load %arg6[%get3A_209, %get3A_210] : memref<1x1024xi32, #tpu.memory_space<vmem>>, vector<1x1024xi32>
    %get3A_212 = arith.constant 0 : index
    %get3A_213 = arith.constant 0 : index
    %get3A_214 = vector.load %arg7[%get3A_212, %get3A_213] : memref<1x1024xi32, #tpu.memory_space<vmem>>, vector<1x1024xi32>
    %get3A_215 = arith.constant 0 : index
    %get3A_216 = arith.constant 0 : index
    %get3A_217 = vector.load %arg8[%get3A_215, %get3A_216] : memref<1x1024xi32, #tpu.memory_space<vmem>>, vector<1x1024xi32>
    %lt3A_218 = arith.cmpi slt, %and3A_205, %get3A_208 : vector<1x1024xi32>
    %lt3A_219 = arith.cmpi slt, %and3A_205, %get3A_214 : vector<1x1024xi32>
    %select_n3A_220 = arith.select %lt3A_218, %and3A_205, %get3A_208 : vector<1x1024xi1>, vector<1x1024xi32>
    %swap3A_221 = arith.constant 0 : index
    %swap3A_222 = arith.constant 0 : index
    %swap3A_223 = vector.load %arg5[%swap3A_221, %swap3A_222] : memref<1x1024xi32, #tpu.memory_space<vmem>>, vector<1x1024xi32>
    tpu.vector_store %arg5[%swap3A_221, %swap3A_222], %select_n3A_220 {strides = array<i32>} : memref<1x1024xi32, #tpu.memory_space<vmem>>, vector<1x1024xi32>,
    %select_n3A_224 = arith.select %lt3A_218, %add3A_202, %get3A_211 : vector<1x1024xi1>, vector<1x1024xi32>
    %swap3A_225 = arith.constant 0 : index
    %swap3A_226 = arith.constant 0 : index
    %swap3A_227 = vector.load %arg6[%swap3A_225, %swap3A_226] : memref<1x1024xi32, #tpu.memory_space<vmem>>, vector<1x1024xi32>
    tpu.vector_store %arg6[%swap3A_225, %swap3A_226], %select_n3A_224 {strides = array<i32>} : memref<1x1024xi32, #tpu.memory_space<vmem>>, vector<1x1024xi32>,
    %select_n3A_228 = arith.select %lt3A_219, %and3A_205, %get3A_214 : vector<1x1024xi1>, vector<1x1024xi32>
    %select_n3A_229 = arith.select %lt3A_218, %get3A_208, %select_n3A_228 : vector<1x1024xi1>, vector<1x1024xi32>
    %swap3A_230 = arith.constant 0 : index
    %swap3A_231 = arith.constant 0 : index
    %swap3A_232 = vector.load %arg7[%swap3A_230, %swap3A_231] : memref<1x1024xi32, #tpu.memory_space<vmem>>, vector<1x1024xi32>
    tpu.vector_store %arg7[%swap3A_230, %swap3A_231], %select_n3A_229 {strides = array<i32>} : memref<1x1024xi32, #tpu.memory_space<vmem>>, vector<1x1024xi32>,
    %select_n3A_233 = arith.select %lt3A_219, %add3A_202, %get3A_217 : vector<1x1024xi1>, vector<1x1024xi32>
    %select_n3A_234 = arith.select %lt3A_218, %get3A_211, %select_n3A_233 : vector<1x1024xi1>, vector<1x1024xi32>
    %swap3A_235 = arith.constant 0 : index
    %swap3A_236 = arith.constant 0 : index
    %swap3A_237 = vector.load %arg8[%swap3A_235, %swap3A_236] : memref<1x1024xi32, #tpu.memory_space<vmem>>, vector<1x1024xi32>
    tpu.vector_store %arg8[%swap3A_235, %swap3A_236], %select_n3A_234 {strides = array<i32>} : memref<1x1024xi32, #tpu.memory_space<vmem>>, vector<1x1024xi32>,
    %eq3A_238 = arith.constant 48 : i32
    %eq3A_239 = arith.cmpi eq, %arg0, %eq3A_238 : i32
    %convert_element_type3A_240 = arith.extui %eq3A_239 : i1 to i32
    %cond3A_241 = arith.constant 0 : i32
    %cond3A_242 = arith.cmpi ne, %convert_element_type3A_240, %cond3A_241 : i32
    scf.if %cond3A_242 {
      %get3A_243 = arith.constant 0 : index
      %get3A_244 = arith.constant 0 : index
      %get3A_245 = vector.load %arg6[%get3A_243, %get3A_244] : memref<1x1024xi32, #tpu.memory_space<vmem>>, vector<1x1024xi32>
      %swap3A_246 = arith.constant 0 : index
      %swap3A_247 = arith.constant 0 : index
      %swap3A_248 = vector.load %arg3[%swap3A_246, %swap3A_247] : memref<1x1024xi32, #tpu.memory_space<vmem>>, vector<1x1024xi32>
      tpu.vector_store %arg3[%swap3A_246, %swap3A_247], %get3A_245 {strides = array<i32>} : memref<1x1024xi32, #tpu.memory_space<vmem>>, vector<1x1024xi32>,
      %get3A_249 = arith.constant 0 : index
      %get3A_250 = arith.constant 0 : index
      %get3A_251 = vector.load %arg8[%get3A_249, %get3A_250] : memref<1x1024xi32, #tpu.memory_space<vmem>>, vector<1x1024xi32>
      %swap3A_252 = arith.constant 0 : index
      %swap3A_253 = arith.constant 0 : index
      %swap3A_254 = vector.load %arg4[%swap3A_252, %swap3A_253] : memref<1x1024xi32, #tpu.memory_space<vmem>>, vector<1x1024xi32>
      tpu.vector_store %arg4[%swap3A_252, %swap3A_253], %get3A_251 {strides = array<i32>} : memref<1x1024xi32, #tpu.memory_space<vmem>>, vector<1x1024xi32>,
    } else {
    }
    return
  }
  func.func @transform_0(%arg0: i32) -> (i32, i32) {
    %c0_i32 = arith.constant 0 : i32
    %c0_i32_0 = arith.constant 0 : i32
    return %arg0, %c0_i32 : i32, i32
  }
  func.func @transform_1(%arg0: i32) -> (i32, i32) {
    %c0_i32 = arith.constant 0 : i32
    %c0_i32_0 = arith.constant 0 : i32
    %c0_i32_1 = arith.constant 0 : i32
    return %c0_i32, %c0_i32_0 : i32, i32
  }
  func.func @transform_2(%arg0: i32) -> (i32, i32) {
    %c0_i32 = arith.constant 0 : i32
    %c0_i32_0 = arith.constant 0 : i32
    %c0_i32_1 = arith.constant 0 : i32
    return %c0_i32, %c0_i32_0 : i32, i32
  }
  func.func @transform_3(%arg0: i32) -> (i32, i32) {
    %c0_i32 = arith.constant 0 : i32
    %c0_i32_0 = arith.constant 0 : i32
    %c0_i32_1 = arith.constant 0 : i32
    return %c0_i32, %c0_i32_0 : i32, i32
  }
}

module attributes {stable_mosaic.version = 14 : i64} {
  func.func @_epi_kernel(%arg0: memref<1024x16xf32, #tpu.memory_space<vmem>>, %arg1: memref<2x1024x128xf32, #tpu.memory_space<vmem>>, %arg2: memref<1024x1xi32, #tpu.memory_space<vmem>>, %arg3: memref<1024x1xi32, #tpu.memory_space<vmem>>, %arg4: memref<3xf32, #tpu.memory_space<smem>>, %arg5: memref<1024x16xf32, #tpu.memory_space<vmem>>) attributes {dimension_semantics = [], scalar_prefetch = 0 : i64, scratch_operands = 0 : i64, tpu.core_type = #tpu.core_type<tc>} {
    %get3A = arith.constant 0 : index
    %get3A_0 = arith.constant 0 : index
    %get3A_1 = vector.load %arg0[%get3A, %get3A_0] : memref<1024x16xf32, #tpu.memory_space<vmem>>, vector<1024x16xf32>
    %get3A_2 = arith.constant 0 : index
    %get3A_3 = arith.constant 0 : index
    %get3A_4 = vector.load %arg2[%get3A_2, %get3A_3] : memref<1024x1xi32, #tpu.memory_space<vmem>>, vector<1024x1xi32>
    %get3A_5 = arith.constant 0 : index
    %get3A_6 = arith.constant 0 : index
    %get3A_7 = vector.load %arg3[%get3A_5, %get3A_6] : memref<1024x1xi32, #tpu.memory_space<vmem>>, vector<1024x1xi32>
    %get3A_8 = arith.constant 0 : index
    %get3A_9 = arith.constant 0 : index
    %get3A_10 = arith.constant 0 : index
    %get3A_11 = vector.load %arg1[%get3A_8, %get3A_9, %get3A_10] : memref<2x1024x128xf32, #tpu.memory_space<vmem>>, vector<1x1024x128xf32>
    %get3A_12 = vector.shape_cast %get3A_11 : vector<1x1024x128xf32> to vector<1024x128xf32>
    %jit3A = arith.constant 8 : i32
    %eq3A = arith.constant 0 : i32
    %eq3A_13 = arith.cmpi eq, %jit3A, %eq3A : i32
    %jit3A_14 = arith.constant 1 : i32
    %select_n3A = arith.select %eq3A_13, %jit3A_14, %jit3A : i32
    %rem3A = vector.broadcast %select_n3A : i32 to vector<1024x1xi32>
    %rem3A_15 = arith.remsi %get3A_4, %rem3A : vector<1024x1xi32>
    %ne3A = arith.constant 0 : i32
    %ne3A_16 = vector.broadcast %ne3A : i32 to vector<1024x1xi32>
    %ne3A_17 = arith.cmpi ne, %rem3A_15, %ne3A_16 : vector<1024x1xi32>
    %lt3A = arith.constant 0 : i32
    %lt3A_18 = vector.broadcast %lt3A : i32 to vector<1024x1xi32>
    %lt3A_19 = arith.cmpi slt, %rem3A_15, %lt3A_18 : vector<1024x1xi32>
    %lt3A_20 = arith.constant 0 : i32
    %lt3A_21 = arith.cmpi slt, %select_n3A, %lt3A_20 : i32
    %ne3A_22 = vector.broadcast %lt3A_21 : i1 to vector<1024x1xi1>
    %ne3A_23 = vector.broadcast %ne3A_22 : vector<1024x1xi1> to vector<1024x1xi1>
    %ne3A_24 = arith.xori %lt3A_19, %ne3A_23 : vector<1024x1xi1>
    %and3A = arith.andi %ne3A_24, %ne3A_17 : vector<1024x1xi1>
    %add3A = vector.broadcast %select_n3A : i32 to vector<1024x1xi32>
    %add3A_25 = arith.addi %rem3A_15, %add3A : vector<1024x1xi32>
    %select_n3A_26 = arith.select %and3A, %add3A_25, %rem3A_15 : vector<1024x1xi1>, vector<1024x1xi32>
    %iota3A = tpu.iota {dimensions = array<i32: 1>} : vector<1024x128xi32>
    %jit3A_27 = arith.constant 16 : i32
    %div3A = vector.broadcast %jit3A_27 : i32 to vector<1024x128xi32>
    %div3A_28 = arith.divsi %iota3A, %div3A : vector<1024x128xi32>
    %sign3A = arith.constant 0 : i32
    %sign3A_29 = vector.broadcast %sign3A : i32 to vector<1024x128xi32>
    %sign3A_30 = arith.cmpi sgt, %iota3A, %sign3A_29 : vector<1024x128xi32>
    %sign3A_31 = arith.extui %sign3A_30 : vector<1024x128xi1> to vector<1024x128xi32>
    %sign3A_32 = arith.constant 0 : i32
    %sign3A_33 = vector.broadcast %sign3A_32 : i32 to vector<1024x128xi32>
    %sign3A_34 = arith.cmpi slt, %iota3A, %sign3A_33 : vector<1024x128xi32>
    %sign3A_35 = arith.extui %sign3A_34 : vector<1024x128xi1> to vector<1024x128xi32>
    %sign3A_36 = arith.subi %sign3A_31, %sign3A_35 : vector<1024x128xi32>
    %sign3A_37 = arith.constant 0 : i32
    %sign3A_38 = arith.cmpi sgt, %jit3A_27, %sign3A_37 : i32
    %sign3A_39 = arith.extui %sign3A_38 : i1 to i32
    %sign3A_40 = arith.constant 0 : i32
    %sign3A_41 = arith.cmpi slt, %jit3A_27, %sign3A_40 : i32
    %sign3A_42 = arith.extui %sign3A_41 : i1 to i32
    %sign3A_43 = arith.subi %sign3A_39, %sign3A_42 : i32
    %ne3A_44 = vector.broadcast %sign3A_43 : i32 to vector<1024x128xi32>
    %ne3A_45 = arith.cmpi ne, %sign3A_36, %ne3A_44 : vector<1024x128xi32>
    %rem3A_46 = vector.broadcast %jit3A_27 : i32 to vector<1024x128xi32>
    %rem3A_47 = arith.remsi %iota3A, %rem3A_46 : vector<1024x128xi32>
    %ne3A_48 = arith.constant 0 : i32
    %ne3A_49 = vector.broadcast %ne3A_48 : i32 to vector<1024x128xi32>
    %ne3A_50 = arith.cmpi ne, %rem3A_47, %ne3A_49 : vector<1024x128xi32>
    %and3A_51 = arith.andi %ne3A_45, %ne3A_50 : vector<1024x128xi1>
    %sub3A = arith.constant 1 : i32
    %sub3A_52 = vector.broadcast %sub3A : i32 to vector<1024x128xi32>
    %sub3A_53 = arith.subi %div3A_28, %sub3A_52 : vector<1024x128xi32>
    %select_n3A_54 = arith.select %and3A_51, %sub3A_53, %div3A_28 : vector<1024x128xi1>, vector<1024x128xi32>
    %eq3A_55 = vector.broadcast %select_n3A_26 : vector<1024x1xi32> to vector<1024x128xi32>
    %eq3A_56 = arith.cmpi eq, %select_n3A_54, %eq3A_55 : vector<1024x128xi32>
    %jit3A_57 = arith.constant 0.000000e+00 : f32
    %broadcast_in_dim3A = vector.broadcast %jit3A_57 : f32 to vector<1024x128xf32>
    %select_n3A_58 = arith.select %eq3A_56, %get3A_12, %broadcast_in_dim3A : vector<1024x128xi1>, vector<1024x128xf32>
    %slice3A = vector.extract_strided_slice %select_n3A_58 {offsets = [0, 0], sizes = [1024, 16], strides = [1, 1]} : vector<1024x128xf32> to vector<1024x16xf32>
    %slice3A_59 = vector.extract_strided_slice %select_n3A_58 {offsets = [0, 16], sizes = [1024, 16], strides = [1, 1]} : vector<1024x128xf32> to vector<1024x16xf32>
    %add3A_60 = arith.addf %slice3A, %slice3A_59 : vector<1024x16xf32>
    %slice3A_61 = vector.extract_strided_slice %select_n3A_58 {offsets = [0, 32], sizes = [1024, 16], strides = [1, 1]} : vector<1024x128xf32> to vector<1024x16xf32>
    %add3A_62 = arith.addf %add3A_60, %slice3A_61 : vector<1024x16xf32>
    %slice3A_63 = vector.extract_strided_slice %select_n3A_58 {offsets = [0, 48], sizes = [1024, 16], strides = [1, 1]} : vector<1024x128xf32> to vector<1024x16xf32>
    %add3A_64 = arith.addf %add3A_62, %slice3A_63 : vector<1024x16xf32>
    %slice3A_65 = vector.extract_strided_slice %select_n3A_58 {offsets = [0, 64], sizes = [1024, 16], strides = [1, 1]} : vector<1024x128xf32> to vector<1024x16xf32>
    %add3A_66 = arith.addf %add3A_64, %slice3A_65 : vector<1024x16xf32>
    %slice3A_67 = vector.extract_strided_slice %select_n3A_58 {offsets = [0, 80], sizes = [1024, 16], strides = [1, 1]} : vector<1024x128xf32> to vector<1024x16xf32>
    %add3A_68 = arith.addf %add3A_66, %slice3A_67 : vector<1024x16xf32>
    %slice3A_69 = vector.extract_strided_slice %select_n3A_58 {offsets = [0, 96], sizes = [1024, 16], strides = [1, 1]} : vector<1024x128xf32> to vector<1024x16xf32>
    %add3A_70 = arith.addf %add3A_68, %slice3A_69 : vector<1024x16xf32>
    %slice3A_71 = vector.extract_strided_slice %select_n3A_58 {offsets = [0, 112], sizes = [1024, 16], strides = [1, 1]} : vector<1024x128xf32> to vector<1024x16xf32>
    %add3A_72 = arith.addf %add3A_70, %slice3A_71 : vector<1024x16xf32>
    %get3A_73 = arith.constant 1 : index
    %get3A_74 = arith.constant 0 : index
    %get3A_75 = arith.constant 0 : index
    %get3A_76 = vector.load %arg1[%get3A_73, %get3A_74, %get3A_75] : memref<2x1024x128xf32, #tpu.memory_space<vmem>>, vector<1x1024x128xf32>
    %get3A_77 = vector.shape_cast %get3A_76 : vector<1x1024x128xf32> to vector<1024x128xf32>
    %jit3A_78 = arith.constant 8 : i32
    %eq3A_79 = arith.constant 0 : i32
    %eq3A_80 = arith.cmpi eq, %jit3A_78, %eq3A_79 : i32
    %jit3A_81 = arith.constant 1 : i32
    %select_n3A_82 = arith.select %eq3A_80, %jit3A_81, %jit3A_78 : i32
    %rem3A_83 = vector.broadcast %select_n3A_82 : i32 to vector<1024x1xi32>
    %rem3A_84 = arith.remsi %get3A_7, %rem3A_83 : vector<1024x1xi32>
    %ne3A_85 = arith.constant 0 : i32
    %ne3A_86 = vector.broadcast %ne3A_85 : i32 to vector<1024x1xi32>
    %ne3A_87 = arith.cmpi ne, %rem3A_84, %ne3A_86 : vector<1024x1xi32>
    %lt3A_88 = arith.constant 0 : i32
    %lt3A_89 = vector.broadcast %lt3A_88 : i32 to vector<1024x1xi32>
    %lt3A_90 = arith.cmpi slt, %rem3A_84, %lt3A_89 : vector<1024x1xi32>
    %lt3A_91 = arith.constant 0 : i32
    %lt3A_92 = arith.cmpi slt, %select_n3A_82, %lt3A_91 : i32
    %ne3A_93 = vector.broadcast %lt3A_92 : i1 to vector<1024x1xi1>
    %ne3A_94 = vector.broadcast %ne3A_93 : vector<1024x1xi1> to vector<1024x1xi1>
    %ne3A_95 = arith.xori %lt3A_90, %ne3A_94 : vector<1024x1xi1>
    %and3A_96 = arith.andi %ne3A_95, %ne3A_87 : vector<1024x1xi1>
    %add3A_97 = vector.broadcast %select_n3A_82 : i32 to vector<1024x1xi32>
    %add3A_98 = arith.addi %rem3A_84, %add3A_97 : vector<1024x1xi32>
    %select_n3A_99 = arith.select %and3A_96, %add3A_98, %rem3A_84 : vector<1024x1xi1>, vector<1024x1xi32>
    %iota3A_100 = tpu.iota {dimensions = array<i32: 1>} : vector<1024x128xi32>
    %jit3A_101 = arith.constant 16 : i32
    %div3A_102 = vector.broadcast %jit3A_101 : i32 to vector<1024x128xi32>
    %div3A_103 = arith.divsi %iota3A_100, %div3A_102 : vector<1024x128xi32>
    %sign3A_104 = arith.constant 0 : i32
    %sign3A_105 = vector.broadcast %sign3A_104 : i32 to vector<1024x128xi32>
    %sign3A_106 = arith.cmpi sgt, %iota3A_100, %sign3A_105 : vector<1024x128xi32>
    %sign3A_107 = arith.extui %sign3A_106 : vector<1024x128xi1> to vector<1024x128xi32>
    %sign3A_108 = arith.constant 0 : i32
    %sign3A_109 = vector.broadcast %sign3A_108 : i32 to vector<1024x128xi32>
    %sign3A_110 = arith.cmpi slt, %iota3A_100, %sign3A_109 : vector<1024x128xi32>
    %sign3A_111 = arith.extui %sign3A_110 : vector<1024x128xi1> to vector<1024x128xi32>
    %sign3A_112 = arith.subi %sign3A_107, %sign3A_111 : vector<1024x128xi32>
    %sign3A_113 = arith.constant 0 : i32
    %sign3A_114 = arith.cmpi sgt, %jit3A_101, %sign3A_113 : i32
    %sign3A_115 = arith.extui %sign3A_114 : i1 to i32
    %sign3A_116 = arith.constant 0 : i32
    %sign3A_117 = arith.cmpi slt, %jit3A_101, %sign3A_116 : i32
    %sign3A_118 = arith.extui %sign3A_117 : i1 to i32
    %sign3A_119 = arith.subi %sign3A_115, %sign3A_118 : i32
    %ne3A_120 = vector.broadcast %sign3A_119 : i32 to vector<1024x128xi32>
    %ne3A_121 = arith.cmpi ne, %sign3A_112, %ne3A_120 : vector<1024x128xi32>
    %rem3A_122 = vector.broadcast %jit3A_101 : i32 to vector<1024x128xi32>
    %rem3A_123 = arith.remsi %iota3A_100, %rem3A_122 : vector<1024x128xi32>
    %ne3A_124 = arith.constant 0 : i32
    %ne3A_125 = vector.broadcast %ne3A_124 : i32 to vector<1024x128xi32>
    %ne3A_126 = arith.cmpi ne, %rem3A_123, %ne3A_125 : vector<1024x128xi32>
    %and3A_127 = arith.andi %ne3A_121, %ne3A_126 : vector<1024x128xi1>
    %sub3A_128 = arith.constant 1 : i32
    %sub3A_129 = vector.broadcast %sub3A_128 : i32 to vector<1024x128xi32>
    %sub3A_130 = arith.subi %div3A_103, %sub3A_129 : vector<1024x128xi32>
    %select_n3A_131 = arith.select %and3A_127, %sub3A_130, %div3A_103 : vector<1024x128xi1>, vector<1024x128xi32>
    %eq3A_132 = vector.broadcast %select_n3A_99 : vector<1024x1xi32> to vector<1024x128xi32>
    %eq3A_133 = arith.cmpi eq, %select_n3A_131, %eq3A_132 : vector<1024x128xi32>
    %jit3A_134 = arith.constant 0.000000e+00 : f32
    %broadcast_in_dim3A_135 = vector.broadcast %jit3A_134 : f32 to vector<1024x128xf32>
    %select_n3A_136 = arith.select %eq3A_133, %get3A_77, %broadcast_in_dim3A_135 : vector<1024x128xi1>, vector<1024x128xf32>
    %slice3A_137 = vector.extract_strided_slice %select_n3A_136 {offsets = [0, 0], sizes = [1024, 16], strides = [1, 1]} : vector<1024x128xf32> to vector<1024x16xf32>
    %slice3A_138 = vector.extract_strided_slice %select_n3A_136 {offsets = [0, 16], sizes = [1024, 16], strides = [1, 1]} : vector<1024x128xf32> to vector<1024x16xf32>
    %add3A_139 = arith.addf %slice3A_137, %slice3A_138 : vector<1024x16xf32>
    %slice3A_140 = vector.extract_strided_slice %select_n3A_136 {offsets = [0, 32], sizes = [1024, 16], strides = [1, 1]} : vector<1024x128xf32> to vector<1024x16xf32>
    %add3A_141 = arith.addf %add3A_139, %slice3A_140 : vector<1024x16xf32>
    %slice3A_142 = vector.extract_strided_slice %select_n3A_136 {offsets = [0, 48], sizes = [1024, 16], strides = [1, 1]} : vector<1024x128xf32> to vector<1024x16xf32>
    %add3A_143 = arith.addf %add3A_141, %slice3A_142 : vector<1024x16xf32>
    %slice3A_144 = vector.extract_strided_slice %select_n3A_136 {offsets = [0, 64], sizes = [1024, 16], strides = [1, 1]} : vector<1024x128xf32> to vector<1024x16xf32>
    %add3A_145 = arith.addf %add3A_143, %slice3A_144 : vector<1024x16xf32>
    %slice3A_146 = vector.extract_strided_slice %select_n3A_136 {offsets = [0, 80], sizes = [1024, 16], strides = [1, 1]} : vector<1024x128xf32> to vector<1024x16xf32>
    %add3A_147 = arith.addf %add3A_145, %slice3A_146 : vector<1024x16xf32>
    %slice3A_148 = vector.extract_strided_slice %select_n3A_136 {offsets = [0, 96], sizes = [1024, 16], strides = [1, 1]} : vector<1024x128xf32> to vector<1024x16xf32>
    %add3A_149 = arith.addf %add3A_147, %slice3A_148 : vector<1024x16xf32>
    %slice3A_150 = vector.extract_strided_slice %select_n3A_136 {offsets = [0, 112], sizes = [1024, 16], strides = [1, 1]} : vector<1024x128xf32> to vector<1024x16xf32>
    %add3A_151 = arith.addf %add3A_149, %slice3A_150 : vector<1024x16xf32>
    %get3A_152 = arith.constant 0 : index
    %get3A_153 = memref.load %arg4[%get3A_152] : memref<3xf32, #tpu.memory_space<smem>>
    %get3A_154 = arith.constant 1 : index
    %get3A_155 = memref.load %arg4[%get3A_154] : memref<3xf32, #tpu.memory_space<smem>>
    %get3A_156 = arith.constant 2 : index
    %get3A_157 = memref.load %arg4[%get3A_156] : memref<3xf32, #tpu.memory_space<smem>>
    %sub3A_158 = arith.subf %get3A_1, %add3A_72 : vector<1024x16xf32>
    %sub3A_159 = arith.subf %get3A_1, %add3A_151 : vector<1024x16xf32>
    %mul3A = arith.mulf %sub3A_158, %sub3A_158 : vector<1024x16xf32>
    %reduce_sum3A = arith.constant dense<0.000000e+00> : vector<1024xf32>
    %reduce_sum3A_160 = vector.multi_reduction <add>, %mul3A, %reduce_sum3A [1] : vector<1024x16xf32> to vector<1024xf32>
    %broadcast_in_dim3A_161 = vector.shape_cast %reduce_sum3A_160 : vector<1024xf32> to vector<1024x1xf32>
    %sqrt3A = math.sqrt %broadcast_in_dim3A_161 : vector<1024x1xf32>
    %mul3A_162 = arith.mulf %sub3A_159, %sub3A_159 : vector<1024x16xf32>
    %reduce_sum3A_163 = arith.constant dense<0.000000e+00> : vector<1024xf32>
    %reduce_sum3A_164 = vector.multi_reduction <add>, %mul3A_162, %reduce_sum3A_163 [1] : vector<1024x16xf32> to vector<1024xf32>
    %broadcast_in_dim3A_165 = vector.shape_cast %reduce_sum3A_164 : vector<1024xf32> to vector<1024x1xf32>
    %sqrt3A_166 = math.sqrt %broadcast_in_dim3A_165 : vector<1024x1xf32>
    %lt3A_167 = arith.cmpf olt, %sqrt3A, %sqrt3A_166 : vector<1024x1xf32>
    %eq3A_168 = arith.cmpf oeq, %sqrt3A, %sqrt3A_166 : vector<1024x1xf32>
    %lt3A_169 = arith.cmpi slt, %get3A_4, %get3A_7 : vector<1024x1xi32>
    %and3A_170 = arith.andi %eq3A_168, %lt3A_169 : vector<1024x1xi1>
    %or3A = arith.ori %lt3A_167, %and3A_170 : vector<1024x1xi1>
    %broadcast_in_dim3A_171 = vector.shape_cast %or3A : vector<1024x1xi1> to vector<1024x1xi1>
    %broadcast_in_dim3A_172 = vector.broadcast %broadcast_in_dim3A_171 : vector<1024x1xi1> to vector<1024x16xi1>
    %select_n3A_173 = arith.select %broadcast_in_dim3A_172, %add3A_72, %add3A_151 : vector<1024x16xi1>, vector<1024x16xf32>
    %sub3A_174 = arith.subf %select_n3A_173, %get3A_1 : vector<1024x16xf32>
    %mul3A_175 = vector.broadcast %get3A_153 : f32 to vector<1024x16xf32>
    %mul3A_176 = arith.mulf %mul3A_175, %sub3A_174 : vector<1024x16xf32>
    %mul3A_177 = arith.mulf %mul3A_176, %mul3A_176 : vector<1024x16xf32>
    %reduce_sum3A_178 = arith.constant dense<0.000000e+00> : vector<1024xf32>
    %reduce_sum3A_179 = vector.multi_reduction <add>, %mul3A_177, %reduce_sum3A_178 [1] : vector<1024x16xf32> to vector<1024xf32>
    %broadcast_in_dim3A_180 = vector.shape_cast %reduce_sum3A_179 : vector<1024xf32> to vector<1024x1xf32>
    %sqrt3A_181 = math.sqrt %broadcast_in_dim3A_180 : vector<1024x1xf32>
    %mul3A_182 = arith.mulf %get3A_1, %get3A_1 : vector<1024x16xf32>
    %reduce_sum3A_183 = arith.constant dense<0.000000e+00> : vector<1024xf32>
    %reduce_sum3A_184 = vector.multi_reduction <add>, %mul3A_182, %reduce_sum3A_183 [1] : vector<1024x16xf32> to vector<1024xf32>
    %broadcast_in_dim3A_185 = vector.shape_cast %reduce_sum3A_184 : vector<1024xf32> to vector<1024x1xf32>
    %sqrt3A_186 = math.sqrt %broadcast_in_dim3A_185 : vector<1024x1xf32>
    %mul3A_187 = arith.mulf %get3A_1, %mul3A_176 : vector<1024x16xf32>
    %reduce_sum3A_188 = arith.constant dense<0.000000e+00> : vector<1024xf32>
    %reduce_sum3A_189 = vector.multi_reduction <add>, %mul3A_187, %reduce_sum3A_188 [1] : vector<1024x16xf32> to vector<1024xf32>
    %broadcast_in_dim3A_190 = vector.shape_cast %reduce_sum3A_189 : vector<1024xf32> to vector<1024x1xf32>
    %abs3A = math.absf %broadcast_in_dim3A_190 : vector<1024x1xf32>
    %add3A_191 = arith.constant 9.99999993E-9 : f32
    %add3A_192 = vector.broadcast %add3A_191 : f32 to vector<1024x1xf32>
    %add3A_193 = arith.addf %sqrt3A_186, %add3A_192 : vector<1024x1xf32>
    %div3A_194 = arith.divf %abs3A, %add3A_193 : vector<1024x1xf32>
    %mul3A_195 = vector.broadcast %get3A_157 : f32 to vector<1024x1xf32>
    %mul3A_196 = arith.mulf %div3A_194, %mul3A_195 : vector<1024x1xf32>
    %add3A_197 = vector.broadcast %get3A_155 : f32 to vector<1024x1xf32>
    %add3A_198 = arith.addf %add3A_197, %mul3A_196 : vector<1024x1xf32>
    %gt3A = arith.cmpf ogt, %sqrt3A_181, %add3A_198 : vector<1024x1xf32>
    %mul3A_199 = arith.constant 2.000000e+00 : f32
    %mul3A_200 = vector.broadcast %mul3A_199 : f32 to vector<1024x16xf32>
    %mul3A_201 = arith.mulf %mul3A_176, %mul3A_200 : vector<1024x16xf32>
    %mul3A_202 = arith.constant 5.000000e-01 : f32
    %mul3A_203 = vector.broadcast %mul3A_202 : f32 to vector<1024x16xf32>
    %mul3A_204 = arith.mulf %mul3A_176, %mul3A_203 : vector<1024x16xf32>
    %broadcast_in_dim3A_205 = vector.shape_cast %gt3A : vector<1024x1xi1> to vector<1024x1xi1>
    %broadcast_in_dim3A_206 = vector.broadcast %broadcast_in_dim3A_205 : vector<1024x1xi1> to vector<1024x16xi1>
    %select_n3A_207 = arith.select %broadcast_in_dim3A_206, %mul3A_201, %mul3A_204 : vector<1024x16xi1>, vector<1024x16xf32>
    %swap3A = arith.constant 0 : index
    %swap3A_208 = arith.constant 0 : index
    %swap3A_209 = vector.load %arg5[%swap3A, %swap3A_208] : memref<1024x16xf32, #tpu.memory_space<vmem>>, vector<1024x16xf32>
    tpu.vector_store %arg5[%swap3A, %swap3A_208], %select_n3A_207 {strides = array<i32>} : memref<1024x16xf32, #tpu.memory_space<vmem>>, vector<1024x16xf32>,
    return
  }
}

</mosaic_0001>

<sc_bundles>
// kernel: kernel.5.cloned.1.call-start
scs
__scs_entry_jumppad:
0x0: {  	(pc) =	sbr.rel $0x88, $3  }
0x1: {  	(tag) =	ssettag $0x0;
	lr =	simm.s32 $0x1  }
0x2: {  	[smem:$0x3F9C] =	sst lr;
	_ =	strace $0xD0000000  }
0x3: {  	_ = 	snop  }
0x4: {  	_ = 	snop  }
0x5: {  	_ = 	snop  }
0x6: {  	_ = 	snop  }
0x7: {  	_ = 	snop  }
__scs_overlays_trampoline_lowered:
0x8: {  	[smem:$0x3FAB] =	sst s0  }
0x9: {  	[smem:$0x3FAC] =	sst s1  }
0xa: {  	[smem:$0x3FAD] =	sst s2  }
0xb: {  	[smem:$0x3FAE] =	sst s3  }
0xc: {  	[smem:$0x3FAF] =	sst s4  }
0xd: {  	[smem:$0x3FB0] =	sst s5  }
0xe: {  	[smem:$0x3FB1] =	sst s6  }
0xf: {  	[smem:$0x3FB2] =	sst s7  }
0x10: {  	[smem:$0x3FB3] =	sst s8  }
0x11: {  	[smem:$0x3FB4] =	sst s9;
	s0 =	simm.s32 @!p0 $0x0  }
0x12: {  	s1 =	sld [smem:$0x3F9A];
	s0 =	simm.s32 @p0 $0x1  }
0x13: {  	[smem:$0x3FB5] =	sst s0;
	s0 =	simm.s32 @!p1 $0x0  }
0x14: {  	s2 =	sld [smem:$0x3F99];
	s0 =	simm.s32 @p1 $0x1  }
0x15: {  	[smem:$0x3FB6] =	sst s0;
	s0 =	simm.s32 @!p2 $0x0  }
0x16: {  	s3 =	sld [smem:$0x3FDB];
	s0 =	simm.s32 @p2 $0x1  }
0x17: {  	s4 =	simm.s32 $0x1BF5;
	[smem:$0x3FB8] =	sst s0  }
0x18: {  	s0 =	sld [smem:$0x3F9B];
	_ =	swait.ge [sflag:s4], $0x0  }
0x19: {  	s7 =	sld [smem:$0x3F9C]  }
0x1a: {  	s8 =	sadd.s32 $0xFFFFE003, lr  }
0x1b: {  	s9 =	sadd.s32 $0xFFFFFEF7, lr;
	s5 =	simm.s32 $0xFFFFFFFF;
	p2 =	slt.u32 s8, $0xFFFFF086  }
0x1c: {  	p1 =	slt.u32 s9, $0xF7A;
	s5 =	simm.s32 @!p2 $0x0  }
0x1d: {  	s5 =	simm.s32 @p1 $0x1;
	p0 =	seq.s32 s7, s2  }
0x1e: {  	s7 =	smul.u32 @!p0 $0xF7A, s2;
	p2 =	seq.s32 @!p0 s5, $0x0  }
0x1f: {  	s9 =	smul.u32 $0xF7A, s1;
	s8 =	simm.s32 @!p0 $0x1BF5;
	p2 =	por !p2, p0  }
0x20: {  	[sflag:s8] =	ssyncset.s32 @!p0 $0xFFFFF086;
	s6 =	sadd.s32 @!p0 s3, s7;
	s7 =	simm.s32 @!p0 $0x108  }
0x21: {  	s3 =	sadd.s32 s3, s9;
	s6 =	sadd.s32 @!p0 $0x88, s6;
	s7 =	simm.s32 @p2 $0x1082  }
0x22: {  	[simem:s7], [sflag:s8] =	dma.local @!p0 [hbm:s6], $0xF7A  }
0x23: {  	s9 =	sor.u32 $0xD0000000, s2;
	s6 =	simm.s32 $0x108;
	_ =	swait.ge @!p0 [sflag:s8], $0x0  }
0x24: {  	s3 =	sadd.s32 $0x88, s3;
	s6 =	simm.s32 @!p1 $0x1082;
	[sflag:s4] =	ssyncset.s32 $0xFFFFF086  }
0x25: {  	[simem:s6], [sflag:s4] =	dma.local [hbm:s3], $0xF7A  }
0x26: {  	[smem:$0x3F9C] =	sst s1;
	(tag) =	ssettag s2;
	_ =	strace s9  }
0x27: {  	s1 =	sld [smem:$0x3FAC]  }
0x28: {  	s2 =	sld [smem:$0x3FAD]  }
0x29: {  	s4 =	sld [smem:$0x3FAF]  }
0x2a: {  	p0 =	seq.s32 s5, $0x0;
	s5 =	sld [smem:$0x3FB0]  }
0x2b: {  	s6 =	sld [smem:$0x3FB1]  }
0x2c: {  	s7 =	sld [smem:$0x3FB2]  }
0x2d: {  	s3 =	simm.s32 $0x108;
	s8 =	sld [smem:$0x3FB3]  }
0x2e: {  	s3 =	simm.s32 @!p0 $0x1082;
	s9 =	sld [smem:$0x3FB4]  }
0x2f: {  	lr =	sadd.s32 s0, s3;
	s0 =	sld [smem:$0x3FAB]  }
0x30: {  	s3 =	sld [smem:$0x3FAE]  }
0x31: {  	[smem:$0x3FB7] =	sst s10  }
0x32: {  	s10 =	sld [smem:$0x3FB5];
	_ =	sdelay $0x3  }
0x33: {  	p0 =	seq.s32 s10, $0x1;
	s10 =	sld [smem:$0x3FB7];
	_ =	sdelay $0x3  }
0x34: {  	[smem:$0x3FB7] =	sst s10  }
0x35: {  	s10 =	sld [smem:$0x3FB6];
	_ =	sdelay $0x3  }
0x36: {  	p1 =	seq.s32 s10, $0x1;
	s10 =	sld [smem:$0x3FB7];
	_ =	sdelay $0x3  }
0x37: {  	[smem:$0x3FB7] =	sst s10  }
0x38: {  	s10 =	sld [smem:$0x3FB8]  }
0x39: {  	_ = 	snop;
	(pc) =	sbr.ind lr, $3  }
0x3a: {  	_ = 	snop  }
0x3b: {  	_ = 	snop  }
0x3c: {  	p2 =	seq.s32 s10, $0x1;
	s10 =	sld [smem:$0x3FB7]  }
0x3d: {  	_ =	shalt  }
0x3e: {  	_ =	shalt  }
0x3f: {  	_ =	shalt  }
0x40: {  	_ =	shalt  }
0x41: {  	_ =	shalt  }
0x42: {  	_ =	shalt  }
0x43: {  	_ =	shalt  }
0x44: {  	_ =	shalt  }
0x45: {  	_ =	shalt  }
0x46: {  	_ =	shalt  }
0x47: {  	_ =	shalt  }
0x48: {  	_ =	shalt  }
0x49: {  	_ =	shalt  }
0x4a: {  	_ =	shalt  }
0x4b: {  	_ =	shalt  }
0x4c: {  	_ =	shalt  }
0x4d: {  	_ =	shalt  }
0x4e: {  	_ =	shalt  }
0x4f: {  	_ =	shalt  }
0x50: {  	_ =	shalt  }
0x51: {  	_ =	shalt  }
0x52: {  	_ =	shalt  }
0x53: {  	_ =	shalt  }
0x54: {  	_ =	shalt  }
0x55: {  	_ =	shalt  }
0x56: {  	_ =	shalt  }
0x57: {  	_ =	shalt  }
0x58: {  	_ =	shalt  }
0x59: {  	_ =	shalt  }
0x5a: {  	_ =	shalt  }
0x5b: {  	_ =	shalt  }
0x5c: {  	_ =	shalt  }
0x5d: {  	_ =	shalt  }
0x5e: {  	_ =	shalt  }
0x5f: {  	_ =	shalt  }
0x60: {  	_ =	shalt  }
0x61: {  	_ =	shalt  }
0x62: {  	_ =	shalt  }
0x63: {  	_ =	shalt  }
0x64: {  	_ =	shalt  }
0x65: {  	_ =	shalt  }
0x66: {  	_ =	shalt  }
0x67: {  	_ =	shalt  }
0x68: {  	_ =	shalt  }
0x69: {  	_ =	shalt  }
0x6a: {  	_ =	shalt  }
0x6b: {  	_ =	shalt  }
0x6c: {  	_ =	shalt  }
0x6d: {  	_ =	shalt  }
0x6e: {  	_ =	shalt  }
0x6f: {  	_ =	shalt  }
0x70: {  	_ =	shalt  }
0x71: {  	_ =	shalt  }
0x72: {  	_ =	shalt  }
0x73: {  	_ =	shalt  }
0x74: {  	_ =	shalt  }
0x75: {  	_ =	shalt  }
0x76: {  	_ =	shalt  }
0x77: {  	_ =	shalt  }
0x78: {  	_ =	shalt  }
0x79: {  	_ =	shalt  }
0x7a: {  	_ =	shalt  }
0x7b: {  	_ =	shalt  }
0x7c: {  	_ =	shalt  }
0x7d: {  	_ =	shalt  }
0x7e: {  	_ =	shalt  }
0x7f: {  	_ =	shalt  }
0x80: {  	_ =	shalt  }
0x81: {  	_ =	shalt  }
0x82: {  	_ =	shalt  }
0x83: {  	_ =	shalt  }
0x84: {  	_ =	shalt  }
0x85: {  	_ =	shalt  }
0x86: {  	_ =	shalt  }
0x87: {  	_ =	shalt  }
.Lfunc_end0:
.L_simem_size_0:
called_computation_lowered:
.L_overlay_start_0:
0x88: {  	s2 =	sld [smem:$0x3FD9]  }
0x89: {  	s3 =	sld [smem:$0x3FFE];
	_ =	sdelay $0x1  }
0x8a: {  	s1 =	srdreg.scid  }
0x8b: {  	s0 =	sand.u32 $0x1, s1  }
0x8c: {  	s17 =	sshll.u32 s0, $0xA;
	s2 =	sadd.s32 s3, s2  }
0x8d: {  	s2 =	sadd.s32 s2, s17  }
0x8e: {  	[smem:$0x3FC3] =	sst s2  }
0x8f: {  	_ = 	snop  }
0x90: {  	s2 =	sld [smem:$0x3FD0];
	(tm) =	ssettm $0x1  }
0x91: {  	s18 =	sld [smem:$0x3FFB];
	_ =	sdelay $0x3  }
0x92: {  	_ =	strace s18  }
0x93: {  	s3 =	sld [smem:$0x3FFC];
	_ =	sdelay $0x3  }
0x94: {  	_ =	strace s3  }
0x95: {  	s3 =	sld [smem:$0x3FFD];
	_ =	sdelay $0x3  }
0x96: {  	_ =	strace s3  }
0x97: {  	_ =	strace $0x8FFFFFFF  }
0x98: {  	s19 =	sld [smem:$0x3FDB];
	_ =	sdelay $0x1  }
0x99: {  	s4 =	simm.s32 $_scs_section_size  }
0x9a: {  	s5 =	simm.s32 $_size__tile_overlayer_lowered;
	s6 =	simm.s32 $_tile_overlayer_lowered  }
0x9b: {  	s22 =	simm.s32 $0x1BFF;
	s21 =	sshll.u32 s6, $0x1;
	s3 =	sadd.s32 s4, s19  }
0x9c: {  	s7 =	simm.s32 $0x0;
	s20 =	sshll.u32 s5, $0x1;
	s5 =	sadd.s32 s21, s3  }
0x9d: {  	[timem:s7], [sflag:s22] =	dma.local [hbm:s5], s20  }
0x9e: {  	_ =	swait.ge [sflag:s22], s20  }
0x9f: {  	s4 =	ssub.s32 $0x0, s20;
	[sflag:s22] =	ssyncset.done $0x0  }
0xa0: {  	[sflag:s22] =	ssyncadd.s32 s4;
	_ =	sdelay $0x1  }
0xa1: {  	s23 =	simm.s32 $0x1B8B  }
0xa2: {  	_ =	swait.ge [sflag:s23], $0x1  }
0xa3: {  	[sflag:s23] =	ssyncset.done $0x0  }
0xa4: {  	s25 =	simm.s32 $0x1B8E;
	s24 =	sld [smem:$0x3FFE];
	[sflag:s23] =	ssyncadd.s32 $0xFFFFFFFF  }
0xa5: {  	s26 =	simm.s32 $execute0_lowered;
	[smem:$0x3FD2] =	sst s25  }
0xa6: {  	s5 =	sshll.u32 s26, $0x1;
	_ =	strace $0x80000046;
	[dreg:$0x1] =	wrdreg $0xFFFFFFFF  }
0xa7: {  	s28 =	simm.s32 $_size_execute0_lowered;
	s3 =	sadd.s32 s3, s5;
	[dreg:$0x0] =	wrdreg $0x0  }
0xa8: {  	s5 =	sshll.u32 s28, $0x1;
	[dreg:$0x2] =	wrdreg s3  }
0xa9: {  	[dreg:$0x3] =	wrdreg s5  }
0xaa: {  	[dreg:$0x4] =	wrdreg $0xC0  }
0xab: {  	_ =	task [dreg:s7], $0x5FFFF  }
0xac: {  	[dreg:$0x1] =	wrdreg $0xFFFFFFFF  }
0xad: {  	[dreg:$0x0] =	wrdreg $0x60  }
0xae: {  	[dreg:$0x2] =	wrdreg s24  }
0xaf: {  	[dreg:$0x3] =	wrdreg s2  }
0xb0: {  	[dreg:$0x4] =	wrdreg $0x9  }
0xb1: {  	_ =	task.clear_ibuf [dreg:s7], $0x5FFFF;
	_ =	strace $0x90000046  }
0xb2: {  	s29 =	simm.s32 $0x9;
	_ =	strace $0x80000048  }
0xb3: {  	_ =	swait.ge [sflag:s29], $0x1  }
0xb4: {  	[sflag:s29] =	ssyncadd.s32 $0xFFFFFFFF  }
0xb5: {  	_ =	strace $0x90000048  }
0xb6: {  	_ =	sfence  }
0xb7: {  	s30 =	sld [smem:$0x0];
	_ =	sdelay $0x2  }
0xb8: {  	s31 =	sshll.u32 s1, $0xD;
	s1 =	sshrl.u32 s1, $0x2  }
0xb9: {  	s3 =	sand.u32 $0x4000, s31;
	s1 =	sadd.s32 s1, s30  }
0xba: {  	s0 =	sor.u32 s3, s0;
	s1 =	sshll.u32 s1, $0x11  }
0xbb: {  	s0 =	sor.u32 s1, s0  }
0xbc: {  	s0 =	sadd.s32 $0x8F2B, s0  }
0xbd: {  	[sflag:s0] =	ssyncadd.remote.s32 $0x1  }
0xbe: {  	_ =	sfence.sel $0xFFFF  }
0xbf: {  	[dreg:$0x0] =	wrdreg $0xFFFFFFFF;
	(pc) =	sbr.abs _section_cstart, $3  }
0xc0: {  	[dreg:$0x1] =	wrdreg $0xFFFFFFFF  }
0xc1: {  	_ =	task.clear_ibuf [dreg:s7], $0x2FFFF;
	_ =	strace $0x9FFFFFFF  }
0xc2: {  	(tm) =	ssettm $0x7FFFFFFF  }
0xc3: {  	_ =	shalt  }
tec
execute0_lowered:
.L_overlay_start_1:
0x0: {  	(tag) =	ssettag $0x1  }
0x1: {  	s1 =	srdreg.scid;
	s9 =	rddreg [dreg:$0x0]  }
0x2: {  	s0 =	stileid.u32;
	s3 =	rddreg [dreg:$0x1]  }
0x3: {  	s2 =	simm.s32 $0x0;
	s7 =	simm.s32 $0x80;
	s6 =	sand.u32 $0x1, s1  }
0x4: {  	s4 =	sshll.u32 s0, $0x7;
	s1 =	rddreg [dreg:$0x2];
	s5 =	sshll.u32 s6, $0x6  }
0x5: {  	s8 =	simm.s32 $0x1;
	[smem:$0x7FF] =	sst s2;
	s10 =	sor.u32 s5, s4  }
0x6: {  	_ =	strace $0x80000047;
	s11 =	ssub.s32 $0x2, s6;
	s4 =	sshrl.u32 s10, $0x3  }
0x7: {  	s6 =	simm.s32 $0x40;
	s4 =	sadd.s32 s3, s4;
	s3 =	simm.s32 $0x2  }
0x8: {  	[tilespmem:s2], [sflag:$0x2] =	stream.linear.gather [hbm4b:s4+s2], $0x40, $0x38;
	[tilespmem:$0x2080] =	vst v63  }
0x9: {  	s5 =	sadd.s32 $0x24B800, s9;
	s12 =	sshrl.u32 s11, $0x1;
	_ =	swait.ge [sflag:s3], $0x40  }
0xa: {  	s10 =	sshll.u32 s10, $0x4;
	s31 =	ssub.s32 s11, s12;
	[sflag:s3] =	ssyncset.done $0x0  }
0xb: {  	s9 =	sadd.s32 s10, s9;
	s10 =	smax.u32 s31, $0x1;
	[sflag:s3] =	ssyncadd.s32 $0xFFFFFFC0  }
0xc: {  	[tilespmem:s7], [sflag:$0x1] =	stream.indirect.gather [hbm4b:s5+s6], $0x80, s2, s6, $0xb8;
	[tilespmem:$0x2080] =	vst v63  }
0xd: {  	p0 =	sne.s32 s10, $0x1;
	_ =	swait.ge [sflag:s8], $0x2000  }
.Ltmp0:
0xe: {  	[sflag:s8] =	ssyncset.done $0x0;
	(pc) =	sbr.rel @!p0 .LBB2_2-.Ltmp0, $4  }
0xf: {  	s9 =	sadd.s32 $0xE00, s9;
	[sflag:s8] =	ssyncadd.s32 $0xFFFFE000  }
0x10: {  	[hbm4b:s9+s2] =	stream.linear.scatter [tilespmem:s7], [sflag:$0x2], $0x2000, $0x38;
	[tilespmem:$0x2080] =	vst v63  }
0x11: {  	_ =	swait.ge [sflag:s3], $0x2000  }
0x12: {  	s10 =	sadd.s32 $0xFFFFFFFF, s10;
	[sflag:s3] =	ssyncset.done $0x0  }
.LBB2_1:
0x13: {  	p0 =	sne.s32 s10, $0x1;
	s10 =	sadd.s32 $0xFFFFFFFF, s10;
	[sflag:s3] =	ssyncadd.s32 $0xFFFFE000  }
0x14: {  	[tilespmem:s2], [sflag:$0x2] =	stream.linear.gather [hbm4b:s4+s2], $0x40, $0x38;
	[tilespmem:$0x2080] =	vst v63  }
0x15: {  	_ =	swait.ge [sflag:s3], $0x40  }
0x16: {  	[sflag:s3] =	ssyncset.done $0x0  }
0x17: {  	[sflag:s3] =	ssyncadd.s32 $0xFFFFFFC0  }
0x18: {  	[tilespmem:s7], [sflag:$0x1] =	stream.indirect.gather [hbm4b:s5+s6], $0x80, s2, s6, $0xb8;
	[tilespmem:$0x2080] =	vst v63  }
0x19: {  	_ =	swait.ge [sflag:s8], $0x2000  }
.Ltmp1:
0x1a: {  	[sflag:s8] =	ssyncset.done $0x0;
	(pc) =	sbr.rel @p0 .LBB2_1-.Ltmp1, $4  }
0x1b: {  	[sflag:s8] =	ssyncadd.s32 $0xFFFFE000  }
0x1c: {  	[hbm4b:s9+s2] =	stream.linear.scatter [tilespmem:s7], [sflag:$0x2], $0x2000, $0x38;
	[tilespmem:$0x2080] =	vst v63  }
0x1d: {  	_ =	swait.ge [sflag:s3], $0x2000  }
0x1e: {  	[sflag:s3] =	ssyncset.done $0x0  }
.LBB2_2:
0x1f: {  	[sflag:s3] =	ssyncadd.s32 $0xFFFFE000  }
0x20: {  	_ =	sfence.sel $0x180000  }
0x21: {  	[bflag:$0x0] =	sbarrier.arrive $0xFFFF  }
0x22: {  	p0 =	sne.s32 s0, $0x0;
	_ =	strace $0x90000047  }
0x23: {  	s0 =	sadd.s32 @!p0 $0x100000, s1;
	[bflag:$0x2] =	sbarrier.arrive $0xFFFF  }
0x24: {  	[sflag:s0] =	ssyncadd.tile.s32 @!p0 $0x1;
	_ =	shalt  }
.Lfunc_end2:
_tile_overlayer_lowered:
.L_overlay_start_2:
0x25: {  	(tag) =	ssettag $0x2  }
0x26: {  	s0 =	rddreg [dreg:$0x0];
	s2 =	stileid.u32  }
0x27: {  	s1 =	rddreg [dreg:$0x1];
	p0 =	sne.s32 s2, $0x0  }
0x28: {  	s3 =	rddreg [dreg:$0x2];
	[bflag:$0x3] =	sbarrier.arrive $0xFFFF;
	s2 =	simm.s32 @!p0 $0x1C02  }
0x29: {  	[timem:s3], [sflag:s2] =	dma.local @!p0 [hbm:s0], s1  }
0x2a: {  	s0 =	simm.s32 @!p0 $0x2  }
0x2b: {  	_ =	swait.ge @!p0 [sflag:s0], s1  }
0x2c: {  	s1 =	ssub.s32 @!p0 $0x0, s1;
	[sflag:s0] =	ssyncset.done @!p0 $0x0  }
0x2d: {  	[sflag:s0] =	ssyncadd.s32 @!p0 s1  }
0x2e: {  	[bflag:$0x3] =	sbarrier.arrive $0xFFFF  }
0x2f: {  	_ =	shalt  }

</sc_bundles>
